<compile_context>
chip_gen: v7x
topology: tpu7x:2x2x1
jax: 0.10.2.dev20260603
libtpu: 0.0.44.dev20260713+nightly
codegen_flags: <defaults>
</compile_context>

<pallas_src>
import jax
import jax.numpy as jnp
from jax import lax
from jax.experimental import pallas as pl
from jax.experimental.pallas import tpu as pltpu
from jax.experimental.pallas import tpu_sc as plsc

VOCAB = 1000000
EMBED = 64
HIDDEN = 128
NUM_CLASS = 20
BATCH = 4096
HIST = 50

NC = 2
NS = 16
LANES = 16
NW = NC * NS
BAGS_PER_W = BATCH // NW
BAGS_PER_DMA = 2
ROWS_PER_DMA = BAGS_PER_DMA * HIST
CHUNKS = BAGS_PER_W // BAGS_PER_DMA
NCHUNK = EMBED // LANES


def _embed_bag_body(idx_hbm, off_hbm, table_hbm, out_hbm,
                    idx_v, off_v, rows0_v, rows1_v, out_v, sem0, sem1):
    wid = lax.axis_index("s") * NC + lax.axis_index("c")
    pltpu.sync_copy(idx_hbm.at[wid], idx_v)
    pltpu.sync_copy(off_hbm.at[wid], off_v)

    def start(j, buf, sem):
        pltpu.async_copy(table_hbm.at[idx_v.at[j]], buf, sem)

    def wait(buf, sem):
        pltpu.make_async_copy(table_hbm.at[idx_v.at[0]], buf, sem).wait()

    def accumulate(j, buf):
        for bag in range(BAGS_PER_DMA):
            zero = jnp.zeros((LANES,), jnp.float32)

            def row_body(r, acc):
                base = bag * HIST + r
                off = off_v[j, pl.ds(base, LANES)][0]
                return tuple(
                    acc[c] + buf[base, pl.ds(off + c * LANES, LANES)]
                    for c in range(NCHUNK)
                )

            acc = lax.fori_loop(0, HIST, row_body, (zero,) * NCHUNK)
            for c in range(NCHUNK):
                out_v[j * BAGS_PER_DMA + bag, pl.ds(c * LANES, LANES)] = acc[c]

    start(0, rows0_v, sem0)
    start(1, rows1_v, sem1)

    def pair_body(i, _):
        j0 = 2 * i
        wait(rows0_v, sem0)
        accumulate(j0, rows0_v)
        start(jnp.minimum(j0 + 2, CHUNKS - 1), rows0_v, sem0)
        wait(rows1_v, sem1)
        accumulate(j0 + 1, rows1_v)
        start(jnp.minimum(j0 + 3, CHUNKS - 1), rows1_v, sem1)
        return 0

    lax.fori_loop(0, CHUNKS // 2, pair_body, 0)
    wait(rows0_v, sem0)
    wait(rows1_v, sem1)
    pltpu.sync_copy(out_v, out_hbm.at[pl.ds(wid * BAGS_PER_W, BAGS_PER_W)])


_embed_bag = pl.kernel(
    _embed_bag_body,
    out_type=jax.ShapeDtypeStruct((BATCH, EMBED), jnp.float32),
    mesh=plsc.VectorSubcoreMesh(core_axis_name="c", subcore_axis_name="s"),
    scratch_types=[
        pltpu.VMEM((CHUNKS, ROWS_PER_DMA), jnp.int32),
        pltpu.VMEM((CHUNKS, 2 * EMBED), jnp.int32),
        pltpu.VMEM((ROWS_PER_DMA, 2 * EMBED), jnp.float32),
        pltpu.VMEM((ROWS_PER_DMA, 2 * EMBED), jnp.float32),
        pltpu.VMEM((BAGS_PER_W, EMBED), jnp.float32),
        pltpu.SemaphoreType.DMA,
        pltpu.SemaphoreType.DMA,
    ],
)


def _mlp_body(x_ref, w1_ref, b1_ref, w2_ref, b2_ref, o_ref):
    x = x_ref[...] * (1.0 / HIST)
    h = jnp.tanh(
        lax.dot_general(x, w1_ref[...], (((1,), (1,)), ((), ())),
                        preferred_element_type=jnp.float32)
        + b1_ref[...]
    )
    logits = (
        lax.dot_general(h, w2_ref[...], (((1,), (1,)), ((), ())),
                        preferred_element_type=jnp.float32)
        + b2_ref[...]
    )
    m = jnp.max(logits, axis=-1, keepdims=True)
    e = jnp.exp(logits - m)
    o_ref[...] = e / jnp.sum(e, axis=-1, keepdims=True)


@jax.jit
def kernel(text, table, W1, b1, W2, b2):
    t32 = text.astype(jnp.int32)
    idx_pair = (t32 >> 1).reshape(NW, CHUNKS, ROWS_PER_DMA)
    off = ((t32 & 1) * EMBED).reshape(NW, CHUNKS, ROWS_PER_DMA)
    off = jnp.pad(off, ((0, 0), (0, 0), (0, 2 * EMBED - ROWS_PER_DMA)))
    table_pairs = jnp.concatenate([table[0::2], table[1::2]], axis=1)
    sums = _embed_bag(idx_pair, off, table_pairs)
    return pl.pallas_call(
        _mlp_body,
        out_shape=jax.ShapeDtypeStruct((BATCH, NUM_CLASS), jnp.float32),
    )(sums, W1, b1.reshape(1, HIDDEN), W2, b2.reshape(1, NUM_CLASS))

# --- scband reference (transcript-rebuilt; emitter-appended) ---
"""Pipeline reference for scband-text-embedding-bag-classify-51788715655320 (READ-ONLY COPY).

The authoritative reference and input builder live on the scoring server;
editing this copy changes nothing except your own understanding.
"""

import jax, jax.numpy as jnp
import numpy as np

VOCAB = 1000000
EMBED = 64
HIDDEN = 128
NUM_CLASS = 20
BATCH = 4096
HIST = 50


def setup_inputs(seed: int = 0) -> dict:
    key = jax.random.key(seed)
    k_text, k_tab, k_w1, k_w2 = jax.random.split(key, 4)
    text = jax.random.randint(k_text, (BATCH, HIST), 0, VOCAB, dtype=jnp.int64 if jax.config.read('jax_enable_x64') else jnp.int32)
    initrange = 0.5
    table = jax.random.uniform(k_tab, (VOCAB, EMBED), dtype=jnp.float32, minval=-initrange, maxval=initrange)
    W1 = jax.random.uniform(k_w1, (HIDDEN, EMBED), dtype=jnp.float32, minval=-initrange, maxval=initrange)
    b1 = jnp.zeros((HIDDEN,), dtype=jnp.float32)
    W2 = jax.random.uniform(k_w2, (NUM_CLASS, HIDDEN), dtype=jnp.float32, minval=-initrange, maxval=initrange)
    b2 = jnp.zeros((NUM_CLASS,), dtype=jnp.float32)
    return {"text": text, "table": table, "W1": W1, "b1": b1, "W2": W2, "b2": b2}


def reference(text, table, W1, b1, W2, b2):
    # nn.EmbeddingBag default mode='mean' over each bag (row of 2D input, offsets=None)
    gathered = jnp.take(table, text, axis=0)          # [B, L, E]
    embedded = jnp.mean(gathered, axis=1)             # [B, E]
    h = jnp.tanh(embedded @ W1.T + b1)                # [B, 128]
    # dropout is identity in eval/inference mode
    logits = h @ W2.T + b2                            # [B, num_class]
    out = jax.nn.softmax(logits, axis=-1)
    return out

if __name__ == "__main__":
    import jax
    _d = setup_inputs()
    print(jax.jit(kernel)(*tuple(_d.values())))

</pallas_src>

<mosaic_0001>
#map = affine_map<(d0, d1) -> (0, 0, 0)>
#map1 = affine_map<(d0, d1) -> (0, 0)>
module attributes {stable_mosaic.version = 14 : i64} {
  func.func @_embed_bag_body(%arg0: i32, %arg1: i32, %arg2: memref<32x64x100xi32, #tpu.memory_space<hbm>>, %arg3: memref<32x64x128xi32, #tpu.memory_space<hbm>>, %arg4: memref<500000x128xf32, #tpu.memory_space<hbm>>, %arg5: memref<4096x64xf32, #tpu.memory_space<hbm>>, %arg6: memref<64x100xi32, #tpu.memory_space<vmem>>, %arg7: memref<64x128xi32, #tpu.memory_space<vmem>>, %arg8: memref<100x128xf32, #tpu.memory_space<vmem>>, %arg9: memref<100x128xf32, #tpu.memory_space<vmem>>, %arg10: memref<128x64xf32, #tpu.memory_space<vmem>>, %arg11: memref<!tpu.dma_semaphore, #tpu.memory_space<semaphore_mem>>, %arg12: memref<!tpu.dma_semaphore, #tpu.memory_space<semaphore_mem>>) attributes {dimension_semantics = [#tpu.dimension_semantics<core_parallel>, #tpu.dimension_semantics<subcore_parallel>], iteration_bounds = array<i64: 2, 16>, scalar_prefetch = 0 : i64, scratch_operands = 7 : i64, tpu.core_type = #tpu.core_type<sc_vector_subcore>, window_params = [{transform_indices = #map}, {transform_indices = #map}, {transform_indices = #map1}, {transform_indices = #map1}]} {
    %mul3A = arith.constant 2 : i32
    %mul3A_0 = arith.muli %arg1, %mul3A : i32
    %add3A = arith.addi %mul3A_0, %arg0 : i32
    "tpu.region"() ({
      %run_scoped3A = tpu.sem_alloc : memref<!tpu.dma_semaphore, #tpu.memory_space<semaphore_mem>>
      %dma_start3A_35 = arith.constant 0 : i32
      %dma_start3A_36 = arith.constant 0 : i32
      %dma_start3A_37 = tpu.memref_slice %arg2[%add3A, %dma_start3A_35, %dma_start3A_36] : memref<32x64x100xi32, #tpu.memory_space<hbm>> -> memref<1x64x100xi32, #tpu.memory_space<hbm>>
      %dma_start3A_38 = tpu.memref_squeeze %dma_start3A_37 : memref<1x64x100xi32, #tpu.memory_space<hbm>> -> memref<64x100xi32, #tpu.memory_space<hbm>>
      %dma_start3A_39 = arith.constant 0 : i32
      %dma_start3A_40 = arith.constant 0 : i32
      %dma_start3A_41 = tpu.memref_slice %arg2[%add3A, %dma_start3A_39, %dma_start3A_40] : memref<32x64x100xi32, #tpu.memory_space<hbm>> -> memref<1x64x100xi32, #tpu.memory_space<hbm>>
      %dma_start3A_42 = tpu.memref_squeeze %dma_start3A_41 : memref<1x64x100xi32, #tpu.memory_space<hbm>> -> memref<64x100xi32, #tpu.memory_space<hbm>>
      tpu.enqueue_dma source(%dma_start3A_42 : memref<64x100xi32, #tpu.memory_space<hbm>>) target(%arg6 : memref<64x100xi32, #tpu.memory_space<vmem>>) target_semaphore(%run_scoped3A : memref<!tpu.dma_semaphore, #tpu.memory_space<semaphore_mem>>)
      %dma_wait3A_43 = arith.constant 0 : i32
      %dma_wait3A_44 = arith.constant 0 : i32
      %dma_wait3A_45 = tpu.memref_slice %arg2[%add3A, %dma_wait3A_43, %dma_wait3A_44] : memref<32x64x100xi32, #tpu.memory_space<hbm>> -> memref<1x64x100xi32, #tpu.memory_space<hbm>>
      %dma_wait3A_46 = tpu.memref_squeeze %dma_wait3A_45 : memref<1x64x100xi32, #tpu.memory_space<hbm>> -> memref<64x100xi32, #tpu.memory_space<hbm>>
      %dma_wait3A_47 = arith.constant 0 : i32
      %dma_wait3A_48 = arith.constant 0 : i32
      %dma_wait3A_49 = tpu.memref_slice %arg2[%add3A, %dma_wait3A_47, %dma_wait3A_48] : memref<32x64x100xi32, #tpu.memory_space<hbm>> -> memref<1x64x100xi32, #tpu.memory_space<hbm>>
      %dma_wait3A_50 = tpu.memref_squeeze %dma_wait3A_49 : memref<1x64x100xi32, #tpu.memory_space<hbm>> -> memref<64x100xi32, #tpu.memory_space<hbm>>
      tpu.wait_dma2 semaphore(%run_scoped3A : memref<!tpu.dma_semaphore, #tpu.memory_space<semaphore_mem>>) src(%dma_wait3A_50 : memref<64x100xi32, #tpu.memory_space<hbm>>) dst(%arg6 : memref<64x100xi32, #tpu.memory_space<vmem>>)
      tpu.yield
    }) : () -> ()
    "tpu.region"() ({
      %run_scoped3A = tpu.sem_alloc : memref<!tpu.dma_semaphore, #tpu.memory_space<semaphore_mem>>
      %dma_start3A_35 = arith.constant 0 : i32
      %dma_start3A_36 = arith.constant 0 : i32
      %dma_start3A_37 = tpu.memref_slice %arg3[%add3A, %dma_start3A_35, %dma_start3A_36] : memref<32x64x128xi32, #tpu.memory_space<hbm>> -> memref<1x64x128xi32, #tpu.memory_space<hbm>>
      %dma_start3A_38 = tpu.memref_squeeze %dma_start3A_37 : memref<1x64x128xi32, #tpu.memory_space<hbm>> -> memref<64x128xi32, #tpu.memory_space<hbm>>
      %dma_start3A_39 = arith.constant 0 : i32
      %dma_start3A_40 = arith.constant 0 : i32
      %dma_start3A_41 = tpu.memref_slice %arg3[%add3A, %dma_start3A_39, %dma_start3A_40] : memref<32x64x128xi32, #tpu.memory_space<hbm>> -> memref<1x64x128xi32, #tpu.memory_space<hbm>>
      %dma_start3A_42 = tpu.memref_squeeze %dma_start3A_41 : memref<1x64x128xi32, #tpu.memory_space<hbm>> -> memref<64x128xi32, #tpu.memory_space<hbm>>
      tpu.enqueue_dma source(%dma_start3A_42 : memref<64x128xi32, #tpu.memory_space<hbm>>) target(%arg7 : memref<64x128xi32, #tpu.memory_space<vmem>>) target_semaphore(%run_scoped3A : memref<!tpu.dma_semaphore, #tpu.memory_space<semaphore_mem>>)
      %dma_wait3A_43 = arith.constant 0 : i32
      %dma_wait3A_44 = arith.constant 0 : i32
      %dma_wait3A_45 = tpu.memref_slice %arg3[%add3A, %dma_wait3A_43, %dma_wait3A_44] : memref<32x64x128xi32, #tpu.memory_space<hbm>> -> memref<1x64x128xi32, #tpu.memory_space<hbm>>
      %dma_wait3A_46 = tpu.memref_squeeze %dma_wait3A_45 : memref<1x64x128xi32, #tpu.memory_space<hbm>> -> memref<64x128xi32, #tpu.memory_space<hbm>>
      %dma_wait3A_47 = arith.constant 0 : i32
      %dma_wait3A_48 = arith.constant 0 : i32
      %dma_wait3A_49 = tpu.memref_slice %arg3[%add3A, %dma_wait3A_47, %dma_wait3A_48] : memref<32x64x128xi32, #tpu.memory_space<hbm>> -> memref<1x64x128xi32, #tpu.memory_space<hbm>>
      %dma_wait3A_50 = tpu.memref_squeeze %dma_wait3A_49 : memref<1x64x128xi32, #tpu.memory_space<hbm>> -> memref<64x128xi32, #tpu.memory_space<hbm>>
      tpu.wait_dma2 semaphore(%run_scoped3A : memref<!tpu.dma_semaphore, #tpu.memory_space<semaphore_mem>>) src(%dma_wait3A_50 : memref<64x128xi32, #tpu.memory_space<hbm>>) dst(%arg7 : memref<64x128xi32, #tpu.memory_space<vmem>>)
      tpu.yield
    }) : () -> ()
    %dma_start3A = arith.constant 0 : i32
    %dma_start3A_1 = arith.constant 0 : i32
    %dma_start3A_2 = tpu.memref_slice %arg6[%dma_start3A, %dma_start3A_1] : memref<64x100xi32, #tpu.memory_space<vmem>> -> memref<1x100xi32, #tpu.memory_space<vmem>>
    %dma_start3A_3 = tpu.memref_squeeze %dma_start3A_2 : memref<1x100xi32, #tpu.memory_space<vmem>> -> memref<100xi32, #tpu.memory_space<vmem>>
    %dma_start3A_4 = arith.constant 0 : i32
    %dma_start3A_5 = arith.constant 0 : i32
    %dma_start3A_6 = tpu.memref_slice %arg4[%dma_start3A_4, %dma_start3A_5] : memref<500000x128xf32, #tpu.memory_space<hbm>> -> memref<500000x128xf32, #tpu.memory_space<hbm>>
    tpu.enqueue_indirect_dma source(%dma_start3A_6 : memref<500000x128xf32, #tpu.memory_space<hbm>>) target(%arg8 : memref<100x128xf32, #tpu.memory_space<vmem>>) offsets(%dma_start3A_3 : memref<100xi32, #tpu.memory_space<vmem>>) semaphore(%arg11 : memref<!tpu.dma_semaphore, #tpu.memory_space<semaphore_mem>>)
    %dma_start3A_7 = arith.constant 1 : i32
    %dma_start3A_8 = arith.constant 0 : i32
    %dma_start3A_9 = tpu.memref_slice %arg6[%dma_start3A_7, %dma_start3A_8] : memref<64x100xi32, #tpu.memory_space<vmem>> -> memref<1x100xi32, #tpu.memory_space<vmem>>
    %dma_start3A_10 = tpu.memref_squeeze %dma_start3A_9 : memref<1x100xi32, #tpu.memory_space<vmem>> -> memref<100xi32, #tpu.memory_space<vmem>>
    %dma_start3A_11 = arith.constant 0 : i32
    %dma_start3A_12 = arith.constant 0 : i32
    %dma_start3A_13 = tpu.memref_slice %arg4[%dma_start3A_11, %dma_start3A_12] : memref<500000x128xf32, #tpu.memory_space<hbm>> -> memref<500000x128xf32, #tpu.memory_space<hbm>>
    tpu.enqueue_indirect_dma source(%dma_start3A_13 : memref<500000x128xf32, #tpu.memory_space<hbm>>) target(%arg9 : memref<100x128xf32, #tpu.memory_space<vmem>>) offsets(%dma_start3A_10 : memref<100xi32, #tpu.memory_space<vmem>>) semaphore(%arg12 : memref<!tpu.dma_semaphore, #tpu.memory_space<semaphore_mem>>)
    %scan3A = arith.constant 0 : i32
    %scan3A_14 = arith.constant 0 : i32
    %scan3A_15 = arith.constant 32 : i32
    %scan3A_16 = arith.addi %scan3A_14, %scan3A_15 : i32
    %scan3A_17 = arith.constant 1 : i32
    %scan3A_18 = scf.for %scan3A_35 = %scan3A_14 to %scan3A_16 step %scan3A_17 iter_args(%scan3A_36 = %scan3A) -> (i32)  : i32 {
      %mul3A_37 = arith.constant 2 : i32
      %mul3A_38 = arith.muli %mul3A_37, %scan3A_35 : i32
      %dma_wait3A_39 = arith.constant 0 : i32
      %dma_wait3A_40 = arith.constant 0 : i32
      %dma_wait3A_41 = tpu.memref_slice %arg6[%dma_wait3A_39, %dma_wait3A_40] : memref<64x100xi32, #tpu.memory_space<vmem>> -> memref<1x100xi32, #tpu.memory_space<vmem>>
      %dma_wait3A_42 = tpu.memref_squeeze %dma_wait3A_41 : memref<1x100xi32, #tpu.memory_space<vmem>> -> memref<100xi32, #tpu.memory_space<vmem>>
      %dma_wait3A_43 = arith.constant 0 : i32
      %dma_wait3A_44 = arith.constant 0 : i32
      %dma_wait3A_45 = tpu.memref_slice %arg4[%dma_wait3A_43, %dma_wait3A_44] : memref<500000x128xf32, #tpu.memory_space<hbm>> -> memref<500000x128xf32, #tpu.memory_space<hbm>>
      tpu.wait_indirect_dma semaphore(%arg11 : memref<!tpu.dma_semaphore, #tpu.memory_space<semaphore_mem>>) src(%dma_wait3A_45 : memref<500000x128xf32, #tpu.memory_space<hbm>>) dst(%arg8 : memref<100x128xf32, #tpu.memory_space<vmem>>)
      %broadcast_in_dim3A = arith.constant 0.000000e+00 : f32
      %broadcast_in_dim3A_46 = vector.broadcast %broadcast_in_dim3A : f32 to vector<16xf32>
      %scan3A_47 = arith.constant 0 : i32
      %scan3A_48 = arith.constant 50 : i32
      %scan3A_49 = arith.addi %scan3A_47, %scan3A_48 : i32
      %scan3A_50 = arith.constant 1 : i32
      %scan3A_51:4 = scf.for %scan3A_249 = %scan3A_47 to %scan3A_49 step %scan3A_50 iter_args(%scan3A_250 = %broadcast_in_dim3A_46, %scan3A_251 = %broadcast_in_dim3A_46, %scan3A_252 = %broadcast_in_dim3A_46, %scan3A_253 = %broadcast_in_dim3A_46) -> (vector<16xf32>, vector<16xf32>, vector<16xf32>, vector<16xf32>)  : i32 {
        %add3A_254 = arith.constant 0 : i32
        %add3A_255 = arith.addi %add3A_254, %scan3A_249 : i32
        %get3A = arith.index_cast %mul3A_38 : i32 to index
        %get3A_256 = arith.index_cast %add3A_255 : i32 to index
        %get3A_257 = tpu.vector_load %arg7[%get3A, %get3A_256] {strides = array<i32>} : memref<64x128xi32, #tpu.memory_space<vmem>>, vector<1x16xi32>,
        %get3A_258 = vector.shape_cast %get3A_257 : vector<1x16xi32> to vector<16xi32>
        %slice3A = vector.extract_strided_slice %get3A_258 {offsets = [0], sizes = [1], strides = [1]} : vector<16xi32> to vector<1xi32>
        %squeeze3A = vector.extract %slice3A[0] : i32 from vector<1xi32>
        %add3A_259 = arith.constant 0 : i32
        %add3A_260 = arith.addi %squeeze3A, %add3A_259 : i32
        %get3A_261 = arith.index_cast %add3A_255 : i32 to index
        %get3A_262 = arith.index_cast %add3A_260 : i32 to index
        %get3A_263 = tpu.vector_load %arg8[%get3A_261, %get3A_262] {strides = array<i32>} : memref<100x128xf32, #tpu.memory_space<vmem>>, vector<1x16xf32>,
        %get3A_264 = vector.shape_cast %get3A_263 : vector<1x16xf32> to vector<16xf32>
        %add3A_265 = arith.addf %scan3A_250, %get3A_264 : vector<16xf32>
        %add3A_266 = arith.constant 16 : i32
        %add3A_267 = arith.addi %squeeze3A, %add3A_266 : i32
        %get3A_268 = arith.index_cast %add3A_255 : i32 to index
        %get3A_269 = arith.index_cast %add3A_267 : i32 to index
        %get3A_270 = tpu.vector_load %arg8[%get3A_268, %get3A_269] {strides = array<i32>} : memref<100x128xf32, #tpu.memory_space<vmem>>, vector<1x16xf32>,
        %get3A_271 = vector.shape_cast %get3A_270 : vector<1x16xf32> to vector<16xf32>
        %add3A_272 = arith.addf %scan3A_251, %get3A_271 : vector<16xf32>
        %add3A_273 = arith.constant 32 : i32
        %add3A_274 = arith.addi %squeeze3A, %add3A_273 : i32
        %get3A_275 = arith.index_cast %add3A_255 : i32 to index
        %get3A_276 = arith.index_cast %add3A_274 : i32 to index
        %get3A_277 = tpu.vector_load %arg8[%get3A_275, %get3A_276] {strides = array<i32>} : memref<100x128xf32, #tpu.memory_space<vmem>>, vector<1x16xf32>,
        %get3A_278 = vector.shape_cast %get3A_277 : vector<1x16xf32> to vector<16xf32>
        %add3A_279 = arith.addf %scan3A_252, %get3A_278 : vector<16xf32>
        %add3A_280 = arith.constant 48 : i32
        %add3A_281 = arith.addi %squeeze3A, %add3A_280 : i32
        %get3A_282 = arith.index_cast %add3A_255 : i32 to index
        %get3A_283 = arith.index_cast %add3A_281 : i32 to index
        %get3A_284 = tpu.vector_load %arg8[%get3A_282, %get3A_283] {strides = array<i32>} : memref<100x128xf32, #tpu.memory_space<vmem>>, vector<1x16xf32>,
        %get3A_285 = vector.shape_cast %get3A_284 : vector<1x16xf32> to vector<16xf32>
        %add3A_286 = arith.addf %scan3A_253, %get3A_285 : vector<16xf32>
        scf.yield %add3A_265, %add3A_272, %add3A_279, %add3A_286 : vector<16xf32>, vector<16xf32>, vector<16xf32>, vector<16xf32>
      }
      %scan3A_52 = arith.constant 50 : i32
      %mul3A_53 = arith.constant 2 : i32
      %mul3A_54 = arith.muli %mul3A_38, %mul3A_53 : i32
      %add3A_55 = arith.constant 0 : i32
      %add3A_56 = arith.addi %mul3A_54, %add3A_55 : i32
      %swap3A = arith.index_cast %add3A_56 : i32 to index
      %swap3A_57 = arith.constant 0 : index
      %swap3A_58 = tpu.vector_load %arg10[%swap3A, %swap3A_57] {strides = array<i32>} : memref<128x64xf32, #tpu.memory_space<vmem>>, vector<1x16xf32>,
      %swap3A_59 = vector.shape_cast %swap3A_58 : vector<1x16xf32> to vector<16xf32>
      %swap3A_60 = vector.shape_cast %scan3A_51#0 : vector<16xf32> to vector<1x16xf32>
      tpu.vector_store %arg10[%swap3A, %swap3A_57], %swap3A_60 {strides = array<i32>} : memref<128x64xf32, #tpu.memory_space<vmem>>, vector<1x16xf32>,
      %mul3A_61 = arith.constant 2 : i32
      %mul3A_62 = arith.muli %mul3A_38, %mul3A_61 : i32
      %add3A_63 = arith.constant 0 : i32
      %add3A_64 = arith.addi %mul3A_62, %add3A_63 : i32
      %swap3A_65 = arith.index_cast %add3A_64 : i32 to index
      %swap3A_66 = arith.constant 16 : index
      %swap3A_67 = tpu.vector_load %arg10[%swap3A_65, %swap3A_66] {strides = array<i32>} : memref<128x64xf32, #tpu.memory_space<vmem>>, vector<1x16xf32>,
      %swap3A_68 = vector.shape_cast %swap3A_67 : vector<1x16xf32> to vector<16xf32>
      %swap3A_69 = vector.shape_cast %scan3A_51#1 : vector<16xf32> to vector<1x16xf32>
      tpu.vector_store %arg10[%swap3A_65, %swap3A_66], %swap3A_69 {strides = array<i32>} : memref<128x64xf32, #tpu.memory_space<vmem>>, vector<1x16xf32>,
      %mul3A_70 = arith.constant 2 : i32
      %mul3A_71 = arith.muli %mul3A_38, %mul3A_70 : i32
      %add3A_72 = arith.constant 0 : i32
      %add3A_73 = arith.addi %mul3A_71, %add3A_72 : i32
      %swap3A_74 = arith.index_cast %add3A_73 : i32 to index
      %swap3A_75 = arith.constant 32 : index
      %swap3A_76 = tpu.vector_load %arg10[%swap3A_74, %swap3A_75] {strides = array<i32>} : memref<128x64xf32, #tpu.memory_space<vmem>>, vector<1x16xf32>,
      %swap3A_77 = vector.shape_cast %swap3A_76 : vector<1x16xf32> to vector<16xf32>
      %swap3A_78 = vector.shape_cast %scan3A_51#2 : vector<16xf32> to vector<1x16xf32>
      tpu.vector_store %arg10[%swap3A_74, %swap3A_75], %swap3A_78 {strides = array<i32>} : memref<128x64xf32, #tpu.memory_space<vmem>>, vector<1x16xf32>,
      %mul3A_79 = arith.constant 2 : i32
      %mul3A_80 = arith.muli %mul3A_38, %mul3A_79 : i32
      %add3A_81 = arith.constant 0 : i32
      %add3A_82 = arith.addi %mul3A_80, %add3A_81 : i32
      %swap3A_83 = arith.index_cast %add3A_82 : i32 to index
      %swap3A_84 = arith.constant 48 : index
      %swap3A_85 = tpu.vector_load %arg10[%swap3A_83, %swap3A_84] {strides = array<i32>} : memref<128x64xf32, #tpu.memory_space<vmem>>, vector<1x16xf32>,
      %swap3A_86 = vector.shape_cast %swap3A_85 : vector<1x16xf32> to vector<16xf32>
      %swap3A_87 = vector.shape_cast %scan3A_51#3 : vector<16xf32> to vector<1x16xf32>
      tpu.vector_store %arg10[%swap3A_83, %swap3A_84], %swap3A_87 {strides = array<i32>} : memref<128x64xf32, #tpu.memory_space<vmem>>, vector<1x16xf32>,
      %broadcast_in_dim3A_88 = arith.constant 0.000000e+00 : f32
      %broadcast_in_dim3A_89 = vector.broadcast %broadcast_in_dim3A_88 : f32 to vector<16xf32>
      %scan3A_90 = arith.constant 0 : i32
      %scan3A_91 = arith.constant 50 : i32
      %scan3A_92 = arith.addi %scan3A_90, %scan3A_91 : i32
      %scan3A_93 = arith.constant 1 : i32
      %scan3A_94:4 = scf.for %scan3A_249 = %scan3A_90 to %scan3A_92 step %scan3A_93 iter_args(%scan3A_250 = %broadcast_in_dim3A_89, %scan3A_251 = %broadcast_in_dim3A_89, %scan3A_252 = %broadcast_in_dim3A_89, %scan3A_253 = %broadcast_in_dim3A_89) -> (vector<16xf32>, vector<16xf32>, vector<16xf32>, vector<16xf32>)  : i32 {
        %add3A_254 = arith.constant 50 : i32
        %add3A_255 = arith.addi %add3A_254, %scan3A_249 : i32
        %get3A = arith.index_cast %mul3A_38 : i32 to index
        %get3A_256 = arith.index_cast %add3A_255 : i32 to index
        %get3A_257 = tpu.vector_load %arg7[%get3A, %get3A_256] {strides = array<i32>} : memref<64x128xi32, #tpu.memory_space<vmem>>, vector<1x16xi32>,
        %get3A_258 = vector.shape_cast %get3A_257 : vector<1x16xi32> to vector<16xi32>
        %slice3A = vector.extract_strided_slice %get3A_258 {offsets = [0], sizes = [1], strides = [1]} : vector<16xi32> to vector<1xi32>
        %squeeze3A = vector.extract %slice3A[0] : i32 from vector<1xi32>
        %add3A_259 = arith.constant 0 : i32
        %add3A_260 = arith.addi %squeeze3A, %add3A_259 : i32
        %get3A_261 = arith.index_cast %add3A_255 : i32 to index
        %get3A_262 = arith.index_cast %add3A_260 : i32 to index
        %get3A_263 = tpu.vector_load %arg8[%get3A_261, %get3A_262] {strides = array<i32>} : memref<100x128xf32, #tpu.memory_space<vmem>>, vector<1x16xf32>,
        %get3A_264 = vector.shape_cast %get3A_263 : vector<1x16xf32> to vector<16xf32>
        %add3A_265 = arith.addf %scan3A_250, %get3A_264 : vector<16xf32>
        %add3A_266 = arith.constant 16 : i32
        %add3A_267 = arith.addi %squeeze3A, %add3A_266 : i32
        %get3A_268 = arith.index_cast %add3A_255 : i32 to index
        %get3A_269 = arith.index_cast %add3A_267 : i32 to index
        %get3A_270 = tpu.vector_load %arg8[%get3A_268, %get3A_269] {strides = array<i32>} : memref<100x128xf32, #tpu.memory_space<vmem>>, vector<1x16xf32>,
        %get3A_271 = vector.shape_cast %get3A_270 : vector<1x16xf32> to vector<16xf32>
        %add3A_272 = arith.addf %scan3A_251, %get3A_271 : vector<16xf32>
        %add3A_273 = arith.constant 32 : i32
        %add3A_274 = arith.addi %squeeze3A, %add3A_273 : i32
        %get3A_275 = arith.index_cast %add3A_255 : i32 to index
        %get3A_276 = arith.index_cast %add3A_274 : i32 to index
        %get3A_277 = tpu.vector_load %arg8[%get3A_275, %get3A_276] {strides = array<i32>} : memref<100x128xf32, #tpu.memory_space<vmem>>, vector<1x16xf32>,
        %get3A_278 = vector.shape_cast %get3A_277 : vector<1x16xf32> to vector<16xf32>
        %add3A_279 = arith.addf %scan3A_252, %get3A_278 : vector<16xf32>
        %add3A_280 = arith.constant 48 : i32
        %add3A_281 = arith.addi %squeeze3A, %add3A_280 : i32
        %get3A_282 = arith.index_cast %add3A_255 : i32 to index
        %get3A_283 = arith.index_cast %add3A_281 : i32 to index
        %get3A_284 = tpu.vector_load %arg8[%get3A_282, %get3A_283] {strides = array<i32>} : memref<100x128xf32, #tpu.memory_space<vmem>>, vector<1x16xf32>,
        %get3A_285 = vector.shape_cast %get3A_284 : vector<1x16xf32> to vector<16xf32>
        %add3A_286 = arith.addf %scan3A_253, %get3A_285 : vector<16xf32>
        scf.yield %add3A_265, %add3A_272, %add3A_279, %add3A_286 : vector<16xf32>, vector<16xf32>, vector<16xf32>, vector<16xf32>
      }
      %scan3A_95 = arith.constant 50 : i32
      %mul3A_96 = arith.constant 2 : i32
      %mul3A_97 = arith.muli %mul3A_38, %mul3A_96 : i32
      %add3A_98 = arith.constant 1 : i32
      %add3A_99 = arith.addi %mul3A_97, %add3A_98 : i32
      %swap3A_100 = arith.index_cast %add3A_99 : i32 to index
      %swap3A_101 = arith.constant 0 : index
      %swap3A_102 = tpu.vector_load %arg10[%swap3A_100, %swap3A_101] {strides = array<i32>} : memref<128x64xf32, #tpu.memory_space<vmem>>, vector<1x16xf32>,
      %swap3A_103 = vector.shape_cast %swap3A_102 : vector<1x16xf32> to vector<16xf32>
      %swap3A_104 = vector.shape_cast %scan3A_94#0 : vector<16xf32> to vector<1x16xf32>
      tpu.vector_store %arg10[%swap3A_100, %swap3A_101], %swap3A_104 {strides = array<i32>} : memref<128x64xf32, #tpu.memory_space<vmem>>, vector<1x16xf32>,
      %mul3A_105 = arith.constant 2 : i32
      %mul3A_106 = arith.muli %mul3A_38, %mul3A_105 : i32
      %add3A_107 = arith.constant 1 : i32
      %add3A_108 = arith.addi %mul3A_106, %add3A_107 : i32
      %swap3A_109 = arith.index_cast %add3A_108 : i32 to index
      %swap3A_110 = arith.constant 16 : index
      %swap3A_111 = tpu.vector_load %arg10[%swap3A_109, %swap3A_110] {strides = array<i32>} : memref<128x64xf32, #tpu.memory_space<vmem>>, vector<1x16xf32>,
      %swap3A_112 = vector.shape_cast %swap3A_111 : vector<1x16xf32> to vector<16xf32>
      %swap3A_113 = vector.shape_cast %scan3A_94#1 : vector<16xf32> to vector<1x16xf32>
      tpu.vector_store %arg10[%swap3A_109, %swap3A_110], %swap3A_113 {strides = array<i32>} : memref<128x64xf32, #tpu.memory_space<vmem>>, vector<1x16xf32>,
      %mul3A_114 = arith.constant 2 : i32
      %mul3A_115 = arith.muli %mul3A_38, %mul3A_114 : i32
      %add3A_116 = arith.constant 1 : i32
      %add3A_117 = arith.addi %mul3A_115, %add3A_116 : i32
      %swap3A_118 = arith.index_cast %add3A_117 : i32 to index
      %swap3A_119 = arith.constant 32 : index
      %swap3A_120 = tpu.vector_load %arg10[%swap3A_118, %swap3A_119] {strides = array<i32>} : memref<128x64xf32, #tpu.memory_space<vmem>>, vector<1x16xf32>,
      %swap3A_121 = vector.shape_cast %swap3A_120 : vector<1x16xf32> to vector<16xf32>
      %swap3A_122 = vector.shape_cast %scan3A_94#2 : vector<16xf32> to vector<1x16xf32>
      tpu.vector_store %arg10[%swap3A_118, %swap3A_119], %swap3A_122 {strides = array<i32>} : memref<128x64xf32, #tpu.memory_space<vmem>>, vector<1x16xf32>,
      %mul3A_123 = arith.constant 2 : i32
      %mul3A_124 = arith.muli %mul3A_38, %mul3A_123 : i32
      %add3A_125 = arith.constant 1 : i32
      %add3A_126 = arith.addi %mul3A_124, %add3A_125 : i32
      %swap3A_127 = arith.index_cast %add3A_126 : i32 to index
      %swap3A_128 = arith.constant 48 : index
      %swap3A_129 = tpu.vector_load %arg10[%swap3A_127, %swap3A_128] {strides = array<i32>} : memref<128x64xf32, #tpu.memory_space<vmem>>, vector<1x16xf32>,
      %swap3A_130 = vector.shape_cast %swap3A_129 : vector<1x16xf32> to vector<16xf32>
      %swap3A_131 = vector.shape_cast %scan3A_94#3 : vector<16xf32> to vector<1x16xf32>
      tpu.vector_store %arg10[%swap3A_127, %swap3A_128], %swap3A_131 {strides = array<i32>} : memref<128x64xf32, #tpu.memory_space<vmem>>, vector<1x16xf32>,
      %add3A_132 = arith.constant 2 : i32
      %add3A_133 = arith.addi %mul3A_38, %add3A_132 : i32
      %min3A = arith.constant 63 : i32
      %min3A_134 = arith.minsi %add3A_133, %min3A : i32
      %dma_start3A_135 = arith.constant 0 : i32
      %dma_start3A_136 = tpu.memref_slice %arg6[%min3A_134, %dma_start3A_135] : memref<64x100xi32, #tpu.memory_space<vmem>> -> memref<1x100xi32, #tpu.memory_space<vmem>>
      %dma_start3A_137 = tpu.memref_squeeze %dma_start3A_136 : memref<1x100xi32, #tpu.memory_space<vmem>> -> memref<100xi32, #tpu.memory_space<vmem>>
      %dma_start3A_138 = arith.constant 0 : i32
      %dma_start3A_139 = arith.constant 0 : i32
      %dma_start3A_140 = tpu.memref_slice %arg4[%dma_start3A_138, %dma_start3A_139] : memref<500000x128xf32, #tpu.memory_space<hbm>> -> memref<500000x128xf32, #tpu.memory_space<hbm>>
      tpu.enqueue_indirect_dma source(%dma_start3A_140 : memref<500000x128xf32, #tpu.memory_space<hbm>>) target(%arg8 : memref<100x128xf32, #tpu.memory_space<vmem>>) offsets(%dma_start3A_137 : memref<100xi32, #tpu.memory_space<vmem>>) semaphore(%arg11 : memref<!tpu.dma_semaphore, #tpu.memory_space<semaphore_mem>>)
      %dma_wait3A_141 = arith.constant 0 : i32
      %dma_wait3A_142 = arith.constant 0 : i32
      %dma_wait3A_143 = tpu.memref_slice %arg6[%dma_wait3A_141, %dma_wait3A_142] : memref<64x100xi32, #tpu.memory_space<vmem>> -> memref<1x100xi32, #tpu.memory_space<vmem>>
      %dma_wait3A_144 = tpu.memref_squeeze %dma_wait3A_143 : memref<1x100xi32, #tpu.memory_space<vmem>> -> memref<100xi32, #tpu.memory_space<vmem>>
      %dma_wait3A_145 = arith.constant 0 : i32
      %dma_wait3A_146 = arith.constant 0 : i32
      %dma_wait3A_147 = tpu.memref_slice %arg4[%dma_wait3A_145, %dma_wait3A_146] : memref<500000x128xf32, #tpu.memory_space<hbm>> -> memref<500000x128xf32, #tpu.memory_space<hbm>>
      tpu.wait_indirect_dma semaphore(%arg12 : memref<!tpu.dma_semaphore, #tpu.memory_space<semaphore_mem>>) src(%dma_wait3A_147 : memref<500000x128xf32, #tpu.memory_space<hbm>>) dst(%arg9 : memref<100x128xf32, #tpu.memory_space<vmem>>)
      %add3A_148 = arith.constant 1 : i32
      %add3A_149 = arith.addi %mul3A_38, %add3A_148 : i32
      %broadcast_in_dim3A_150 = arith.constant 0.000000e+00 : f32
      %broadcast_in_dim3A_151 = vector.broadcast %broadcast_in_dim3A_150 : f32 to vector<16xf32>
      %scan3A_152 = arith.constant 0 : i32
      %scan3A_153 = arith.constant 50 : i32
      %scan3A_154 = arith.addi %scan3A_152, %scan3A_153 : i32
      %scan3A_155 = arith.constant 1 : i32
      %scan3A_156:4 = scf.for %scan3A_249 = %scan3A_152 to %scan3A_154 step %scan3A_155 iter_args(%scan3A_250 = %broadcast_in_dim3A_151, %scan3A_251 = %broadcast_in_dim3A_151, %scan3A_252 = %broadcast_in_dim3A_151, %scan3A_253 = %broadcast_in_dim3A_151) -> (vector<16xf32>, vector<16xf32>, vector<16xf32>, vector<16xf32>)  : i32 {
        %add3A_254 = arith.constant 0 : i32
        %add3A_255 = arith.addi %add3A_254, %scan3A_249 : i32
        %get3A = arith.index_cast %add3A_149 : i32 to index
        %get3A_256 = arith.index_cast %add3A_255 : i32 to index
        %get3A_257 = tpu.vector_load %arg7[%get3A, %get3A_256] {strides = array<i32>} : memref<64x128xi32, #tpu.memory_space<vmem>>, vector<1x16xi32>,
        %get3A_258 = vector.shape_cast %get3A_257 : vector<1x16xi32> to vector<16xi32>
        %slice3A = vector.extract_strided_slice %get3A_258 {offsets = [0], sizes = [1], strides = [1]} : vector<16xi32> to vector<1xi32>
        %squeeze3A = vector.extract %slice3A[0] : i32 from vector<1xi32>
        %add3A_259 = arith.constant 0 : i32
        %add3A_260 = arith.addi %squeeze3A, %add3A_259 : i32
        %get3A_261 = arith.index_cast %add3A_255 : i32 to index
        %get3A_262 = arith.index_cast %add3A_260 : i32 to index
        %get3A_263 = tpu.vector_load %arg9[%get3A_261, %get3A_262] {strides = array<i32>} : memref<100x128xf32, #tpu.memory_space<vmem>>, vector<1x16xf32>,
        %get3A_264 = vector.shape_cast %get3A_263 : vector<1x16xf32> to vector<16xf32>
        %add3A_265 = arith.addf %scan3A_250, %get3A_264 : vector<16xf32>
        %add3A_266 = arith.constant 16 : i32
        %add3A_267 = arith.addi %squeeze3A, %add3A_266 : i32
        %get3A_268 = arith.index_cast %add3A_255 : i32 to index
        %get3A_269 = arith.index_cast %add3A_267 : i32 to index
        %get3A_270 = tpu.vector_load %arg9[%get3A_268, %get3A_269] {strides = array<i32>} : memref<100x128xf32, #tpu.memory_space<vmem>>, vector<1x16xf32>,
        %get3A_271 = vector.shape_cast %get3A_270 : vector<1x16xf32> to vector<16xf32>
        %add3A_272 = arith.addf %scan3A_251, %get3A_271 : vector<16xf32>
        %add3A_273 = arith.constant 32 : i32
        %add3A_274 = arith.addi %squeeze3A, %add3A_273 : i32
        %get3A_275 = arith.index_cast %add3A_255 : i32 to index
        %get3A_276 = arith.index_cast %add3A_274 : i32 to index
        %get3A_277 = tpu.vector_load %arg9[%get3A_275, %get3A_276] {strides = array<i32>} : memref<100x128xf32, #tpu.memory_space<vmem>>, vector<1x16xf32>,
        %get3A_278 = vector.shape_cast %get3A_277 : vector<1x16xf32> to vector<16xf32>
        %add3A_279 = arith.addf %scan3A_252, %get3A_278 : vector<16xf32>
        %add3A_280 = arith.constant 48 : i32
        %add3A_281 = arith.addi %squeeze3A, %add3A_280 : i32
        %get3A_282 = arith.index_cast %add3A_255 : i32 to index
        %get3A_283 = arith.index_cast %add3A_281 : i32 to index
        %get3A_284 = tpu.vector_load %arg9[%get3A_282, %get3A_283] {strides = array<i32>} : memref<100x128xf32, #tpu.memory_space<vmem>>, vector<1x16xf32>,
        %get3A_285 = vector.shape_cast %get3A_284 : vector<1x16xf32> to vector<16xf32>
        %add3A_286 = arith.addf %scan3A_253, %get3A_285 : vector<16xf32>
        scf.yield %add3A_265, %add3A_272, %add3A_279, %add3A_286 : vector<16xf32>, vector<16xf32>, vector<16xf32>, vector<16xf32>
      }
      %scan3A_157 = arith.constant 50 : i32
      %mul3A_158 = arith.constant 2 : i32
      %mul3A_159 = arith.muli %add3A_149, %mul3A_158 : i32
      %add3A_160 = arith.constant 0 : i32
      %add3A_161 = arith.addi %mul3A_159, %add3A_160 : i32
      %swap3A_162 = arith.index_cast %add3A_161 : i32 to index
      %swap3A_163 = arith.constant 0 : index
      %swap3A_164 = tpu.vector_load %arg10[%swap3A_162, %swap3A_163] {strides = array<i32>} : memref<128x64xf32, #tpu.memory_space<vmem>>, vector<1x16xf32>,
      %swap3A_165 = vector.shape_cast %swap3A_164 : vector<1x16xf32> to vector<16xf32>
      %swap3A_166 = vector.shape_cast %scan3A_156#0 : vector<16xf32> to vector<1x16xf32>
      tpu.vector_store %arg10[%swap3A_162, %swap3A_163], %swap3A_166 {strides = array<i32>} : memref<128x64xf32, #tpu.memory_space<vmem>>, vector<1x16xf32>,
      %mul3A_167 = arith.constant 2 : i32
      %mul3A_168 = arith.muli %add3A_149, %mul3A_167 : i32
      %add3A_169 = arith.constant 0 : i32
      %add3A_170 = arith.addi %mul3A_168, %add3A_169 : i32
      %swap3A_171 = arith.index_cast %add3A_170 : i32 to index
      %swap3A_172 = arith.constant 16 : index
      %swap3A_173 = tpu.vector_load %arg10[%swap3A_171, %swap3A_172] {strides = array<i32>} : memref<128x64xf32, #tpu.memory_space<vmem>>, vector<1x16xf32>,
      %swap3A_174 = vector.shape_cast %swap3A_173 : vector<1x16xf32> to vector<16xf32>
      %swap3A_175 = vector.shape_cast %scan3A_156#1 : vector<16xf32> to vector<1x16xf32>
      tpu.vector_store %arg10[%swap3A_171, %swap3A_172], %swap3A_175 {strides = array<i32>} : memref<128x64xf32, #tpu.memory_space<vmem>>, vector<1x16xf32>,
      %mul3A_176 = arith.constant 2 : i32
      %mul3A_177 = arith.muli %add3A_149, %mul3A_176 : i32
      %add3A_178 = arith.constant 0 : i32
      %add3A_179 = arith.addi %mul3A_177, %add3A_178 : i32
      %swap3A_180 = arith.index_cast %add3A_179 : i32 to index
      %swap3A_181 = arith.constant 32 : index
      %swap3A_182 = tpu.vector_load %arg10[%swap3A_180, %swap3A_181] {strides = array<i32>} : memref<128x64xf32, #tpu.memory_space<vmem>>, vector<1x16xf32>,
      %swap3A_183 = vector.shape_cast %swap3A_182 : vector<1x16xf32> to vector<16xf32>
      %swap3A_184 = vector.shape_cast %scan3A_156#2 : vector<16xf32> to vector<1x16xf32>
      tpu.vector_store %arg10[%swap3A_180, %swap3A_181], %swap3A_184 {strides = array<i32>} : memref<128x64xf32, #tpu.memory_space<vmem>>, vector<1x16xf32>,
      %mul3A_185 = arith.constant 2 : i32
      %mul3A_186 = arith.muli %add3A_149, %mul3A_185 : i32
      %add3A_187 = arith.constant 0 : i32
      %add3A_188 = arith.addi %mul3A_186, %add3A_187 : i32
      %swap3A_189 = arith.index_cast %add3A_188 : i32 to index
      %swap3A_190 = arith.constant 48 : index
      %swap3A_191 = tpu.vector_load %arg10[%swap3A_189, %swap3A_190] {strides = array<i32>} : memref<128x64xf32, #tpu.memory_space<vmem>>, vector<1x16xf32>,
      %swap3A_192 = vector.shape_cast %swap3A_191 : vector<1x16xf32> to vector<16xf32>
      %swap3A_193 = vector.shape_cast %scan3A_156#3 : vector<16xf32> to vector<1x16xf32>
      tpu.vector_store %arg10[%swap3A_189, %swap3A_190], %swap3A_193 {strides = array<i32>} : memref<128x64xf32, #tpu.memory_space<vmem>>, vector<1x16xf32>,
      %broadcast_in_dim3A_194 = arith.constant 0.000000e+00 : f32
      %broadcast_in_dim3A_195 = vector.broadcast %broadcast_in_dim3A_194 : f32 to vector<16xf32>
      %scan3A_196 = arith.constant 0 : i32
      %scan3A_197 = arith.constant 50 : i32
      %scan3A_198 = arith.addi %scan3A_196, %scan3A_197 : i32
      %scan3A_199 = arith.constant 1 : i32
      %scan3A_200:4 = scf.for %scan3A_249 = %scan3A_196 to %scan3A_198 step %scan3A_199 iter_args(%scan3A_250 = %broadcast_in_dim3A_195, %scan3A_251 = %broadcast_in_dim3A_195, %scan3A_252 = %broadcast_in_dim3A_195, %scan3A_253 = %broadcast_in_dim3A_195) -> (vector<16xf32>, vector<16xf32>, vector<16xf32>, vector<16xf32>)  : i32 {
        %add3A_254 = arith.constant 50 : i32
        %add3A_255 = arith.addi %add3A_254, %scan3A_249 : i32
        %get3A = arith.index_cast %add3A_149 : i32 to index
        %get3A_256 = arith.index_cast %add3A_255 : i32 to index
        %get3A_257 = tpu.vector_load %arg7[%get3A, %get3A_256] {strides = array<i32>} : memref<64x128xi32, #tpu.memory_space<vmem>>, vector<1x16xi32>,
        %get3A_258 = vector.shape_cast %get3A_257 : vector<1x16xi32> to vector<16xi32>
        %slice3A = vector.extract_strided_slice %get3A_258 {offsets = [0], sizes = [1], strides = [1]} : vector<16xi32> to vector<1xi32>
        %squeeze3A = vector.extract %slice3A[0] : i32 from vector<1xi32>
        %add3A_259 = arith.constant 0 : i32
        %add3A_260 = arith.addi %squeeze3A, %add3A_259 : i32
        %get3A_261 = arith.index_cast %add3A_255 : i32 to index
        %get3A_262 = arith.index_cast %add3A_260 : i32 to index
        %get3A_263 = tpu.vector_load %arg9[%get3A_261, %get3A_262] {strides = array<i32>} : memref<100x128xf32, #tpu.memory_space<vmem>>, vector<1x16xf32>,
        %get3A_264 = vector.shape_cast %get3A_263 : vector<1x16xf32> to vector<16xf32>
        %add3A_265 = arith.addf %scan3A_250, %get3A_264 : vector<16xf32>
        %add3A_266 = arith.constant 16 : i32
        %add3A_267 = arith.addi %squeeze3A, %add3A_266 : i32
        %get3A_268 = arith.index_cast %add3A_255 : i32 to index
        %get3A_269 = arith.index_cast %add3A_267 : i32 to index
        %get3A_270 = tpu.vector_load %arg9[%get3A_268, %get3A_269] {strides = array<i32>} : memref<100x128xf32, #tpu.memory_space<vmem>>, vector<1x16xf32>,
        %get3A_271 = vector.shape_cast %get3A_270 : vector<1x16xf32> to vector<16xf32>
        %add3A_272 = arith.addf %scan3A_251, %get3A_271 : vector<16xf32>
        %add3A_273 = arith.constant 32 : i32
        %add3A_274 = arith.addi %squeeze3A, %add3A_273 : i32
        %get3A_275 = arith.index_cast %add3A_255 : i32 to index
        %get3A_276 = arith.index_cast %add3A_274 : i32 to index
        %get3A_277 = tpu.vector_load %arg9[%get3A_275, %get3A_276] {strides = array<i32>} : memref<100x128xf32, #tpu.memory_space<vmem>>, vector<1x16xf32>,
        %get3A_278 = vector.shape_cast %get3A_277 : vector<1x16xf32> to vector<16xf32>
        %add3A_279 = arith.addf %scan3A_252, %get3A_278 : vector<16xf32>
        %add3A_280 = arith.constant 48 : i32
        %add3A_281 = arith.addi %squeeze3A, %add3A_280 : i32
        %get3A_282 = arith.index_cast %add3A_255 : i32 to index
        %get3A_283 = arith.index_cast %add3A_281 : i32 to index
        %get3A_284 = tpu.vector_load %arg9[%get3A_282, %get3A_283] {strides = array<i32>} : memref<100x128xf32, #tpu.memory_space<vmem>>, vector<1x16xf32>,
        %get3A_285 = vector.shape_cast %get3A_284 : vector<1x16xf32> to vector<16xf32>
        %add3A_286 = arith.addf %scan3A_253, %get3A_285 : vector<16xf32>
        scf.yield %add3A_265, %add3A_272, %add3A_279, %add3A_286 : vector<16xf32>, vector<16xf32>, vector<16xf32>, vector<16xf32>
      }
      %scan3A_201 = arith.constant 50 : i32
      %mul3A_202 = arith.constant 2 : i32
      %mul3A_203 = arith.muli %add3A_149, %mul3A_202 : i32
      %add3A_204 = arith.constant 1 : i32
      %add3A_205 = arith.addi %mul3A_203, %add3A_204 : i32
      %swap3A_206 = arith.index_cast %add3A_205 : i32 to index
      %swap3A_207 = arith.constant 0 : index
      %swap3A_208 = tpu.vector_load %arg10[%swap3A_206, %swap3A_207] {strides = array<i32>} : memref<128x64xf32, #tpu.memory_space<vmem>>, vector<1x16xf32>,
      %swap3A_209 = vector.shape_cast %swap3A_208 : vector<1x16xf32> to vector<16xf32>
      %swap3A_210 = vector.shape_cast %scan3A_200#0 : vector<16xf32> to vector<1x16xf32>
      tpu.vector_store %arg10[%swap3A_206, %swap3A_207], %swap3A_210 {strides = array<i32>} : memref<128x64xf32, #tpu.memory_space<vmem>>, vector<1x16xf32>,
      %mul3A_211 = arith.constant 2 : i32
      %mul3A_212 = arith.muli %add3A_149, %mul3A_211 : i32
      %add3A_213 = arith.constant 1 : i32
      %add3A_214 = arith.addi %mul3A_212, %add3A_213 : i32
      %swap3A_215 = arith.index_cast %add3A_214 : i32 to index
      %swap3A_216 = arith.constant 16 : index
      %swap3A_217 = tpu.vector_load %arg10[%swap3A_215, %swap3A_216] {strides = array<i32>} : memref<128x64xf32, #tpu.memory_space<vmem>>, vector<1x16xf32>,
      %swap3A_218 = vector.shape_cast %swap3A_217 : vector<1x16xf32> to vector<16xf32>
      %swap3A_219 = vector.shape_cast %scan3A_200#1 : vector<16xf32> to vector<1x16xf32>
      tpu.vector_store %arg10[%swap3A_215, %swap3A_216], %swap3A_219 {strides = array<i32>} : memref<128x64xf32, #tpu.memory_space<vmem>>, vector<1x16xf32>,
      %mul3A_220 = arith.constant 2 : i32
      %mul3A_221 = arith.muli %add3A_149, %mul3A_220 : i32
      %add3A_222 = arith.constant 1 : i32
      %add3A_223 = arith.addi %mul3A_221, %add3A_222 : i32
      %swap3A_224 = arith.index_cast %add3A_223 : i32 to index
      %swap3A_225 = arith.constant 32 : index
      %swap3A_226 = tpu.vector_load %arg10[%swap3A_224, %swap3A_225] {strides = array<i32>} : memref<128x64xf32, #tpu.memory_space<vmem>>, vector<1x16xf32>,
      %swap3A_227 = vector.shape_cast %swap3A_226 : vector<1x16xf32> to vector<16xf32>
      %swap3A_228 = vector.shape_cast %scan3A_200#2 : vector<16xf32> to vector<1x16xf32>
      tpu.vector_store %arg10[%swap3A_224, %swap3A_225], %swap3A_228 {strides = array<i32>} : memref<128x64xf32, #tpu.memory_space<vmem>>, vector<1x16xf32>,
      %mul3A_229 = arith.constant 2 : i32
      %mul3A_230 = arith.muli %add3A_149, %mul3A_229 : i32
      %add3A_231 = arith.constant 1 : i32
      %add3A_232 = arith.addi %mul3A_230, %add3A_231 : i32
      %swap3A_233 = arith.index_cast %add3A_232 : i32 to index
      %swap3A_234 = arith.constant 48 : index
      %swap3A_235 = tpu.vector_load %arg10[%swap3A_233, %swap3A_234] {strides = array<i32>} : memref<128x64xf32, #tpu.memory_space<vmem>>, vector<1x16xf32>,
      %swap3A_236 = vector.shape_cast %swap3A_235 : vector<1x16xf32> to vector<16xf32>
      %swap3A_237 = vector.shape_cast %scan3A_200#3 : vector<16xf32> to vector<1x16xf32>
      tpu.vector_store %arg10[%swap3A_233, %swap3A_234], %swap3A_237 {strides = array<i32>} : memref<128x64xf32, #tpu.memory_space<vmem>>, vector<1x16xf32>,
      %add3A_238 = arith.constant 3 : i32
      %add3A_239 = arith.addi %mul3A_38, %add3A_238 : i32
      %min3A_240 = arith.constant 63 : i32
      %min3A_241 = arith.minsi %add3A_239, %min3A_240 : i32
      %dma_start3A_242 = arith.constant 0 : i32
      %dma_start3A_243 = tpu.memref_slice %arg6[%min3A_241, %dma_start3A_242] : memref<64x100xi32, #tpu.memory_space<vmem>> -> memref<1x100xi32, #tpu.memory_space<vmem>>
      %dma_start3A_244 = tpu.memref_squeeze %dma_start3A_243 : memref<1x100xi32, #tpu.memory_space<vmem>> -> memref<100xi32, #tpu.memory_space<vmem>>
      %dma_start3A_245 = arith.constant 0 : i32
      %dma_start3A_246 = arith.constant 0 : i32
      %dma_start3A_247 = tpu.memref_slice %arg4[%dma_start3A_245, %dma_start3A_246] : memref<500000x128xf32, #tpu.memory_space<hbm>> -> memref<500000x128xf32, #tpu.memory_space<hbm>>
      tpu.enqueue_indirect_dma source(%dma_start3A_247 : memref<500000x128xf32, #tpu.memory_space<hbm>>) target(%arg9 : memref<100x128xf32, #tpu.memory_space<vmem>>) offsets(%dma_start3A_244 : memref<100xi32, #tpu.memory_space<vmem>>) semaphore(%arg12 : memref<!tpu.dma_semaphore, #tpu.memory_space<semaphore_mem>>)
      %scan3A_248 = arith.constant 0 : i32
      scf.yield %scan3A_248 : i32
    }
    %scan3A_19 = arith.constant 32 : i32
    %dma_wait3A = arith.constant 0 : i32
    %dma_wait3A_20 = arith.constant 0 : i32
    %dma_wait3A_21 = tpu.memref_slice %arg6[%dma_wait3A, %dma_wait3A_20] : memref<64x100xi32, #tpu.memory_space<vmem>> -> memref<1x100xi32, #tpu.memory_space<vmem>>
    %dma_wait3A_22 = tpu.memref_squeeze %dma_wait3A_21 : memref<1x100xi32, #tpu.memory_space<vmem>> -> memref<100xi32, #tpu.memory_space<vmem>>
    %dma_wait3A_23 = arith.constant 0 : i32
    %dma_wait3A_24 = arith.constant 0 : i32
    %dma_wait3A_25 = tpu.memref_slice %arg4[%dma_wait3A_23, %dma_wait3A_24] : memref<500000x128xf32, #tpu.memory_space<hbm>> -> memref<500000x128xf32, #tpu.memory_space<hbm>>
    tpu.wait_indirect_dma semaphore(%arg11 : memref<!tpu.dma_semaphore, #tpu.memory_space<semaphore_mem>>) src(%dma_wait3A_25 : memref<500000x128xf32, #tpu.memory_space<hbm>>) dst(%arg8 : memref<100x128xf32, #tpu.memory_space<vmem>>)
    %dma_wait3A_26 = arith.constant 0 : i32
    %dma_wait3A_27 = arith.constant 0 : i32
    %dma_wait3A_28 = tpu.memref_slice %arg6[%dma_wait3A_26, %dma_wait3A_27] : memref<64x100xi32, #tpu.memory_space<vmem>> -> memref<1x100xi32, #tpu.memory_space<vmem>>
    %dma_wait3A_29 = tpu.memref_squeeze %dma_wait3A_28 : memref<1x100xi32, #tpu.memory_space<vmem>> -> memref<100xi32, #tpu.memory_space<vmem>>
    %dma_wait3A_30 = arith.constant 0 : i32
    %dma_wait3A_31 = arith.constant 0 : i32
    %dma_wait3A_32 = tpu.memref_slice %arg4[%dma_wait3A_30, %dma_wait3A_31] : memref<500000x128xf32, #tpu.memory_space<hbm>> -> memref<500000x128xf32, #tpu.memory_space<hbm>>
    tpu.wait_indirect_dma semaphore(%arg12 : memref<!tpu.dma_semaphore, #tpu.memory_space<semaphore_mem>>) src(%dma_wait3A_32 : memref<500000x128xf32, #tpu.memory_space<hbm>>) dst(%arg9 : memref<100x128xf32, #tpu.memory_space<vmem>>)
    %mul3A_33 = arith.constant 128 : i32
    %mul3A_34 = arith.muli %add3A, %mul3A_33 : i32
    "tpu.region"() ({
      %run_scoped3A = tpu.sem_alloc : memref<!tpu.dma_semaphore, #tpu.memory_space<semaphore_mem>>
      %dma_start3A_35 = arith.constant 0 : i32
      %dma_start3A_36 = tpu.memref_slice %arg5[%mul3A_34, %dma_start3A_35] : memref<4096x64xf32, #tpu.memory_space<hbm>> -> memref<128x64xf32, #tpu.memory_space<hbm>>
      %dma_start3A_37 = arith.constant 0 : i32
      %dma_start3A_38 = tpu.memref_slice %arg5[%mul3A_34, %dma_start3A_37] : memref<4096x64xf32, #tpu.memory_space<hbm>> -> memref<128x64xf32, #tpu.memory_space<hbm>>
      tpu.enqueue_dma source(%arg10 : memref<128x64xf32, #tpu.memory_space<vmem>>) target(%dma_start3A_38 : memref<128x64xf32, #tpu.memory_space<hbm>>) target_semaphore(%run_scoped3A : memref<!tpu.dma_semaphore, #tpu.memory_space<semaphore_mem>>)
      %dma_wait3A_39 = arith.constant 0 : i32
      %dma_wait3A_40 = tpu.memref_slice %arg5[%mul3A_34, %dma_wait3A_39] : memref<4096x64xf32, #tpu.memory_space<hbm>> -> memref<128x64xf32, #tpu.memory_space<hbm>>
      %dma_wait3A_41 = arith.constant 0 : i32
      %dma_wait3A_42 = tpu.memref_slice %arg5[%mul3A_34, %dma_wait3A_41] : memref<4096x64xf32, #tpu.memory_space<hbm>> -> memref<128x64xf32, #tpu.memory_space<hbm>>
      tpu.wait_dma2 semaphore(%run_scoped3A : memref<!tpu.dma_semaphore, #tpu.memory_space<semaphore_mem>>) src(%arg10 : memref<128x64xf32, #tpu.memory_space<vmem>>) dst(%dma_wait3A_42 : memref<128x64xf32, #tpu.memory_space<hbm>>)
      tpu.yield
    }) : () -> ()
    return
  }
}

module attributes {stable_mosaic.version = 14 : i64} {
  func.func @_mlp_body(%arg0: memref<4096x64xf32, #tpu.memory_space<vmem>>, %arg1: memref<128x64xf32, #tpu.memory_space<vmem>>, %arg2: memref<1x128xf32, #tpu.memory_space<vmem>>, %arg3: memref<20x128xf32, #tpu.memory_space<vmem>>, %arg4: memref<1x20xf32, #tpu.memory_space<vmem>>, %arg5: memref<4096x20xf32, #tpu.memory_space<vmem>>) attributes {dimension_semantics = [], scalar_prefetch = 0 : i64, scratch_operands = 0 : i64, tpu.core_type = #tpu.core_type<tc>} {
    %get3A = arith.constant 0 : index
    %get3A_0 = arith.constant 0 : index
    %get3A_1 = vector.load %arg0[%get3A, %get3A_0] : memref<4096x64xf32, #tpu.memory_space<vmem>>, vector<4096x64xf32>
    %mul3A = arith.constant 2.000000e-02 : f32
    %mul3A_2 = vector.broadcast %mul3A : f32 to vector<4096x64xf32>
    %mul3A_3 = arith.mulf %get3A_1, %mul3A_2 : vector<4096x64xf32>
    %get3A_4 = arith.constant 0 : index
    %get3A_5 = arith.constant 0 : index
    %get3A_6 = vector.load %arg1[%get3A_4, %get3A_5] : memref<128x64xf32, #tpu.memory_space<vmem>>, vector<128x64xf32>
    %dot_general3A = arith.constant dense<0.000000e+00> : vector<4096x128xf32>
    %dot_general3A_7 = tpu.matmul %mul3A_3, %get3A_6, %dot_general3A {dimension_numbers = #tpu.dot_dimension_numbers<[1], [1], [0], [0], [0, 0, 1, 0], [], []>, transpose_lhs_hint = false} : vector<4096x64xf32>, vector<128x64xf32>, vector<4096x128xf32> -> vector<4096x128xf32>
    %get3A_8 = arith.constant 0 : index
    %get3A_9 = arith.constant 0 : index
    %get3A_10 = vector.load %arg2[%get3A_8, %get3A_9] : memref<1x128xf32, #tpu.memory_space<vmem>>, vector<1x128xf32>
    %add3A = vector.broadcast %get3A_10 : vector<1x128xf32> to vector<4096x128xf32>
    %add3A_11 = arith.addf %dot_general3A_7, %add3A : vector<4096x128xf32>
    %tanh3A = math.tanh %add3A_11 : vector<4096x128xf32>
    %get3A_12 = arith.constant 0 : index
    %get3A_13 = arith.constant 0 : index
    %get3A_14 = vector.load %arg3[%get3A_12, %get3A_13] : memref<20x128xf32, #tpu.memory_space<vmem>>, vector<20x128xf32>
    %dot_general3A_15 = arith.constant dense<0.000000e+00> : vector<4096x20xf32>
    %dot_general3A_16 = tpu.matmul %tanh3A, %get3A_14, %dot_general3A_15 {dimension_numbers = #tpu.dot_dimension_numbers<[1], [1], [0], [0], [0, 0, 1, 0], [], []>, transpose_lhs_hint = false} : vector<4096x128xf32>, vector<20x128xf32>, vector<4096x20xf32> -> vector<4096x20xf32>
    %get3A_17 = arith.constant 0 : index
    %get3A_18 = arith.constant 0 : index
    %get3A_19 = vector.load %arg4[%get3A_17, %get3A_18] : memref<1x20xf32, #tpu.memory_space<vmem>>, vector<1x20xf32>
    %add3A_20 = vector.broadcast %get3A_19 : vector<1x20xf32> to vector<4096x20xf32>
    %add3A_21 = arith.addf %dot_general3A_16, %add3A_20 : vector<4096x20xf32>
    %reduce_max3A = arith.constant dense<0xFF800000> : vector<4096xf32>
    %reduce_max3A_22 = vector.multi_reduction <maximumf>, %add3A_21, %reduce_max3A [1] : vector<4096x20xf32> to vector<4096xf32>
    %broadcast_in_dim3A = vector.shape_cast %reduce_max3A_22 : vector<4096xf32> to vector<4096x1xf32>
    %sub3A = vector.broadcast %broadcast_in_dim3A : vector<4096x1xf32> to vector<4096x20xf32>
    %sub3A_23 = arith.subf %add3A_21, %sub3A : vector<4096x20xf32>
    %exp3A = math.exp %sub3A_23 : vector<4096x20xf32>
    %reduce_sum3A = arith.constant dense<0.000000e+00> : vector<4096xf32>
    %reduce_sum3A_24 = vector.multi_reduction <add>, %exp3A, %reduce_sum3A [1] : vector<4096x20xf32> to vector<4096xf32>
    %broadcast_in_dim3A_25 = vector.shape_cast %reduce_sum3A_24 : vector<4096xf32> to vector<4096x1xf32>
    %div3A = vector.broadcast %broadcast_in_dim3A_25 : vector<4096x1xf32> to vector<4096x20xf32>
    %div3A_26 = arith.divf %exp3A, %div3A : vector<4096x20xf32>
    %swap3A = arith.constant 0 : index
    %swap3A_27 = arith.constant 0 : index
    %swap3A_28 = vector.load %arg5[%swap3A, %swap3A_27] : memref<4096x20xf32, #tpu.memory_space<vmem>>, vector<4096x20xf32>
    tpu.vector_store %arg5[%swap3A, %swap3A_27], %div3A_26 {strides = array<i32>} : memref<4096x20xf32, #tpu.memory_space<vmem>>, vector<4096x20xf32>,
    return
  }
}

</mosaic_0001>

<sc_bundles>
// kernel: kernel.4.cloned.1.call-start
scs
__scs_entry_jumppad:
0x0: {  	(pc) =	sbr.rel $0x88, $3  }
0x1: {  	(tag) =	ssettag $0x0;
	lr =	simm.s32 $0x1  }
0x2: {  	[smem:$0x3F9B] =	sst lr;
	_ =	strace $0xD0000000  }
0x3: {  	_ = 	snop  }
0x4: {  	_ = 	snop  }
0x5: {  	_ = 	snop  }
0x6: {  	_ = 	snop  }
0x7: {  	_ = 	snop  }
__scs_overlays_trampoline_lowered:
0x8: {  	[smem:$0x3FAA] =	sst s0  }
0x9: {  	[smem:$0x3FAB] =	sst s1  }
0xa: {  	[smem:$0x3FAC] =	sst s2  }
0xb: {  	[smem:$0x3FAD] =	sst s3  }
0xc: {  	[smem:$0x3FAE] =	sst s4  }
0xd: {  	[smem:$0x3FAF] =	sst s5  }
0xe: {  	[smem:$0x3FB0] =	sst s6  }
0xf: {  	[smem:$0x3FB1] =	sst s7  }
0x10: {  	[smem:$0x3FB2] =	sst s8  }
0x11: {  	[smem:$0x3FB3] =	sst s9;
	s0 =	simm.s32 @!p0 $0x0  }
0x12: {  	s1 =	sld [smem:$0x3F99];
	s0 =	simm.s32 @p0 $0x1  }
0x13: {  	[smem:$0x3FB4] =	sst s0;
	s0 =	simm.s32 @!p1 $0x0  }
0x14: {  	s2 =	sld [smem:$0x3F98];
	s0 =	simm.s32 @p1 $0x1  }
0x15: {  	[smem:$0x3FB5] =	sst s0;
	s0 =	simm.s32 @!p2 $0x0  }
0x16: {  	s3 =	sld [smem:$0x3FDB];
	s0 =	simm.s32 @p2 $0x1  }
0x17: {  	s4 =	simm.s32 $0x1BF5;
	[smem:$0x3FB7] =	sst s0  }
0x18: {  	s0 =	sld [smem:$0x3F9A];
	_ =	swait.ge [sflag:s4], $0x0  }
0x19: {  	s7 =	sld [smem:$0x3F9B]  }
0x1a: {  	s8 =	sadd.s32 $0xFFFFE003, lr  }
0x1b: {  	s9 =	sadd.s32 $0xFFFFFEF7, lr;
	s5 =	simm.s32 $0xFFFFFFFF;
	p2 =	slt.u32 s8, $0xFFFFF086  }
0x1c: {  	p1 =	slt.u32 s9, $0xF7A;
	s5 =	simm.s32 @!p2 $0x0  }
0x1d: {  	s5 =	simm.s32 @p1 $0x1;
	p0 =	seq.s32 s7, s2  }
0x1e: {  	s7 =	smul.u32 @!p0 $0xF7A, s2;
	p2 =	seq.s32 @!p0 s5, $0x0  }
0x1f: {  	s9 =	smul.u32 $0xF7A, s1;
	s8 =	simm.s32 @!p0 $0x1BF5;
	p2 =	por !p2, p0  }
0x20: {  	[sflag:s8] =	ssyncset.s32 @!p0 $0xFFFFF086;
	s6 =	sadd.s32 @!p0 s3, s7;
	s7 =	simm.s32 @!p0 $0x108  }
0x21: {  	s3 =	sadd.s32 s3, s9;
	s6 =	sadd.s32 @!p0 $0x88, s6;
	s7 =	simm.s32 @p2 $0x1082  }
0x22: {  	[simem:s7], [sflag:s8] =	dma.local @!p0 [hbm:s6], $0xF7A  }
0x23: {  	s9 =	sor.u32 $0xD0000000, s2;
	s6 =	simm.s32 $0x108;
	_ =	swait.ge @!p0 [sflag:s8], $0x0  }
0x24: {  	s3 =	sadd.s32 $0x88, s3;
	s6 =	simm.s32 @!p1 $0x1082;
	[sflag:s4] =	ssyncset.s32 $0xFFFFF086  }
0x25: {  	[simem:s6], [sflag:s4] =	dma.local [hbm:s3], $0xF7A  }
0x26: {  	[smem:$0x3F9B] =	sst s1;
	(tag) =	ssettag s2;
	_ =	strace s9  }
0x27: {  	s1 =	sld [smem:$0x3FAB]  }
0x28: {  	s2 =	sld [smem:$0x3FAC]  }
0x29: {  	s4 =	sld [smem:$0x3FAE]  }
0x2a: {  	p0 =	seq.s32 s5, $0x0;
	s5 =	sld [smem:$0x3FAF]  }
0x2b: {  	s6 =	sld [smem:$0x3FB0]  }
0x2c: {  	s7 =	sld [smem:$0x3FB1]  }
0x2d: {  	s3 =	simm.s32 $0x108;
	s8 =	sld [smem:$0x3FB2]  }
0x2e: {  	s3 =	simm.s32 @!p0 $0x1082;
	s9 =	sld [smem:$0x3FB3]  }
0x2f: {  	lr =	sadd.s32 s0, s3;
	s0 =	sld [smem:$0x3FAA]  }
0x30: {  	s3 =	sld [smem:$0x3FAD]  }
0x31: {  	[smem:$0x3FB6] =	sst s10  }
0x32: {  	s10 =	sld [smem:$0x3FB4];
	_ =	sdelay $0x3  }
0x33: {  	p0 =	seq.s32 s10, $0x1;
	s10 =	sld [smem:$0x3FB6];
	_ =	sdelay $0x3  }
0x34: {  	[smem:$0x3FB6] =	sst s10  }
0x35: {  	s10 =	sld [smem:$0x3FB5];
	_ =	sdelay $0x3  }
0x36: {  	p1 =	seq.s32 s10, $0x1;
	s10 =	sld [smem:$0x3FB6];
	_ =	sdelay $0x3  }
0x37: {  	[smem:$0x3FB6] =	sst s10  }
0x38: {  	s10 =	sld [smem:$0x3FB7]  }
0x39: {  	_ = 	snop;
	(pc) =	sbr.ind lr, $3  }
0x3a: {  	_ = 	snop  }
0x3b: {  	_ = 	snop  }
0x3c: {  	p2 =	seq.s32 s10, $0x1;
	s10 =	sld [smem:$0x3FB6]  }
0x3d: {  	_ =	shalt  }
0x3e: {  	_ =	shalt  }
0x3f: {  	_ =	shalt  }
0x40: {  	_ =	shalt  }
0x41: {  	_ =	shalt  }
0x42: {  	_ =	shalt  }
0x43: {  	_ =	shalt  }
0x44: {  	_ =	shalt  }
0x45: {  	_ =	shalt  }
0x46: {  	_ =	shalt  }
0x47: {  	_ =	shalt  }
0x48: {  	_ =	shalt  }
0x49: {  	_ =	shalt  }
0x4a: {  	_ =	shalt  }
0x4b: {  	_ =	shalt  }
0x4c: {  	_ =	shalt  }
0x4d: {  	_ =	shalt  }
0x4e: {  	_ =	shalt  }
0x4f: {  	_ =	shalt  }
0x50: {  	_ =	shalt  }
0x51: {  	_ =	shalt  }
0x52: {  	_ =	shalt  }
0x53: {  	_ =	shalt  }
0x54: {  	_ =	shalt  }
0x55: {  	_ =	shalt  }
0x56: {  	_ =	shalt  }
0x57: {  	_ =	shalt  }
0x58: {  	_ =	shalt  }
0x59: {  	_ =	shalt  }
0x5a: {  	_ =	shalt  }
0x5b: {  	_ =	shalt  }
0x5c: {  	_ =	shalt  }
0x5d: {  	_ =	shalt  }
0x5e: {  	_ =	shalt  }
0x5f: {  	_ =	shalt  }
0x60: {  	_ =	shalt  }
0x61: {  	_ =	shalt  }
0x62: {  	_ =	shalt  }
0x63: {  	_ =	shalt  }
0x64: {  	_ =	shalt  }
0x65: {  	_ =	shalt  }
0x66: {  	_ =	shalt  }
0x67: {  	_ =	shalt  }
0x68: {  	_ =	shalt  }
0x69: {  	_ =	shalt  }
0x6a: {  	_ =	shalt  }
0x6b: {  	_ =	shalt  }
0x6c: {  	_ =	shalt  }
0x6d: {  	_ =	shalt  }
0x6e: {  	_ =	shalt  }
0x6f: {  	_ =	shalt  }
0x70: {  	_ =	shalt  }
0x71: {  	_ =	shalt  }
0x72: {  	_ =	shalt  }
0x73: {  	_ =	shalt  }
0x74: {  	_ =	shalt  }
0x75: {  	_ =	shalt  }
0x76: {  	_ =	shalt  }
0x77: {  	_ =	shalt  }
0x78: {  	_ =	shalt  }
0x79: {  	_ =	shalt  }
0x7a: {  	_ =	shalt  }
0x7b: {  	_ =	shalt  }
0x7c: {  	_ =	shalt  }
0x7d: {  	_ =	shalt  }
0x7e: {  	_ =	shalt  }
0x7f: {  	_ =	shalt  }
0x80: {  	_ =	shalt  }
0x81: {  	_ =	shalt  }
0x82: {  	_ =	shalt  }
0x83: {  	_ =	shalt  }
0x84: {  	_ =	shalt  }
0x85: {  	_ =	shalt  }
0x86: {  	_ =	shalt  }
0x87: {  	_ =	shalt  }
.Lfunc_end0:
.L_simem_size_0:
called_computation.2_lowered:
.L_overlay_start_0:
0x88: {  	s2 =	sld [smem:$0x3FD9]  }
0x89: {  	s3 =	sld [smem:$0x3FFE];
	_ =	sdelay $0x1  }
0x8a: {  	s1 =	srdreg.scid  }
0x8b: {  	s0 =	sand.u32 $0x1, s1  }
0x8c: {  	s16 =	sshll.u32 s0, $0xA;
	s2 =	sadd.s32 s3, s2  }
0x8d: {  	s2 =	sadd.s32 s2, s16  }
0x8e: {  	[smem:$0x3FC2] =	sst s2  }
0x8f: {  	_ = 	snop  }
0x90: {  	(tm) =	ssettm $0x1  }
0x91: {  	s17 =	sld [smem:$0x3FFB];
	_ =	sdelay $0x3  }
0x92: {  	_ =	strace s17  }
0x93: {  	s2 =	sld [smem:$0x3FFC];
	_ =	sdelay $0x3  }
0x94: {  	_ =	strace s2  }
0x95: {  	s2 =	sld [smem:$0x3FFD];
	_ =	sdelay $0x3  }
0x96: {  	_ =	strace s2  }
0x97: {  	_ =	strace $0x8FFFFFFF  }
0x98: {  	s18 =	sld [smem:$0x3FDB];
	_ =	sdelay $0x1  }
0x99: {  	s19 =	simm.s32 $_scs_section_size  }
0x9a: {  	s4 =	simm.s32 $_size__tile_overlayer_lowered;
	s5 =	simm.s32 $_tile_overlayer_lowered  }
0x9b: {  	s22 =	simm.s32 $0x1BFF;
	s21 =	sshll.u32 s5, $0x1;
	s2 =	sadd.s32 s19, s18  }
0x9c: {  	s6 =	simm.s32 $0x0;
	s20 =	sshll.u32 s4, $0x1;
	s4 =	sadd.s32 s21, s2  }
0x9d: {  	[timem:s6], [sflag:s22] =	dma.local [hbm:s4], s20  }
0x9e: {  	_ =	swait.ge [sflag:s22], s20  }
0x9f: {  	s3 =	ssub.s32 $0x0, s20;
	[sflag:s22] =	ssyncset.done $0x0  }
0xa0: {  	[sflag:s22] =	ssyncadd.s32 s3;
	_ =	sdelay $0x1  }
0xa1: {  	s23 =	simm.s32 $0x1B8B  }
0xa2: {  	_ =	swait.ge [sflag:s23], $0x1  }
0xa3: {  	[sflag:s23] =	ssyncset.done $0x0  }
0xa4: {  	s25 =	simm.s32 $0x1B8E;
	s24 =	sld [smem:$0x3FFE];
	[sflag:s23] =	ssyncadd.s32 $0xFFFFFFFF  }
0xa5: {  	s26 =	simm.s32 $execute0_lowered;
	[smem:$0x3FD2] =	sst s25  }
0xa6: {  	s4 =	sshll.u32 s26, $0x1;
	_ =	strace $0x8000004C;
	[dreg:$0x1] =	wrdreg $0xFFFFFFFF  }
0xa7: {  	s28 =	simm.s32 $_size_execute0_lowered;
	s2 =	sadd.s32 s2, s4;
	[dreg:$0x0] =	wrdreg $0x0  }
0xa8: {  	s4 =	sshll.u32 s28, $0x1;
	[dreg:$0x2] =	wrdreg s2  }
0xa9: {  	[dreg:$0x3] =	wrdreg s4  }
0xaa: {  	[dreg:$0x4] =	wrdreg $0xC0  }
0xab: {  	_ =	task [dreg:s6], $0x5FFFF  }
0xac: {  	[dreg:$0x1] =	wrdreg $0xFFFFFFFF  }
0xad: {  	[dreg:$0x0] =	wrdreg $0x60  }
0xae: {  	[dreg:$0x2] =	wrdreg s24  }
0xaf: {  	[dreg:$0x3] =	wrdreg $0x9  }
0xb0: {  	_ =	task.clear_ibuf [dreg:s6], $0x4FFFF;
	_ =	strace $0x9000004C  }
0xb1: {  	s29 =	simm.s32 $0x9;
	_ =	strace $0x8000004E  }
0xb2: {  	_ =	swait.ge [sflag:s29], $0x1  }
0xb3: {  	[sflag:s29] =	ssyncadd.s32 $0xFFFFFFFF  }
0xb4: {  	_ =	strace $0x9000004E  }
0xb5: {  	_ =	sfence  }
0xb6: {  	s30 =	sld [smem:$0x0];
	_ =	sdelay $0x2  }
0xb7: {  	s31 =	sshll.u32 s1, $0xD;
	s1 =	sshrl.u32 s1, $0x2  }
0xb8: {  	s3 =	sand.u32 $0x4000, s31;
	s1 =	sadd.s32 s1, s30  }
0xb9: {  	s0 =	sor.u32 s3, s0;
	s1 =	sshll.u32 s1, $0x11  }
0xba: {  	s0 =	sor.u32 s1, s0  }
0xbb: {  	s0 =	sadd.s32 $0x8F2B, s0  }
0xbc: {  	[sflag:s0] =	ssyncadd.remote.s32 $0x1  }
0xbd: {  	_ =	sfence.sel $0xFFFF  }
0xbe: {  	[dreg:$0x0] =	wrdreg $0xFFFFFFFF;
	(pc) =	sbr.abs _section_cstart, $3  }
0xbf: {  	[dreg:$0x1] =	wrdreg $0xFFFFFFFF  }
0xc0: {  	_ =	task.clear_ibuf [dreg:s6], $0x2FFFF;
	_ =	strace $0x9FFFFFFF  }
0xc1: {  	(tm) =	ssettm $0x7FFFFFFF  }
tec
execute0_lowered:
.L_overlay_start_1:
0x0: {  	(tag) =	ssettag $0x1  }
0x1: {  	s1 =	srdreg.scid  }
0x2: {  	s0 =	stileid.u32;
	s4 =	rddreg [dreg:$0x0]  }
0x3: {  	s2 =	simm.s32 $0x0;
	s10 =	simm.s32 $0x4000;
	s12 =	simm.s32 $0x7400  }
0x4: {  	s13 =	simm.s32 $0x1;
	s14 =	simm.s32 $0x2;
	s16 =	simm.s32 $0x0  }
0x5: {  	s3 =	sand.u32 $0x1, s1;
	s5 =	sshll.u32 s0, $0x1;
	[smem:$0x7FF] =	sst s2  }
0x6: {  	s5 =	sor.u32 s3, s5;
	_ =	strace $0x8000004D;
	s7 =	ssub.s32 $0x2, s3  }
0x7: {  	s3 =	sadd.s32 $0x16F5600, s4;
	s6 =	sshll.u32 s5, $0xA;
	s5 =	sshll.u32 s5, $0xB  }
0x8: {  	s8 =	sshrl.u32 s7, $0x1;
	s6 =	sadd.s32 s6, s4;
	s9 =	sadd.s32 s5, s4  }
0x9: {  	s7 =	ssub.s32 s7, s8;
	s8 =	simm.s32 $0x3;
	s30 =	sadd.s32 $0x16E5600, s6  }
0xa: {  	s31 =	sadd.s32 $0x16ED600, s6;
	s6 =	sadd.s32 $0x1A00, s9;
	[dreg:$0x2] =	wrdreg s30  }
0xb: {  	s7 =	smax.u32 s7, $0x1;
	s9 =	simm.s32 $0x64;
	[dreg:$0x3] =	wrdreg s31  }
.LBB2_1:
0xc: {  	s0 =	rddreg [dreg:$0x2]  }
0xd: {  	[tilespmem:s2], [sflag:$0x3] =	stream.linear.gather [hbm4b:s0+s2], $0x2000, $0x38;
	[tilespmem:$0xE800] =	vst v63  }
0xe: {  	_ =	swait.ge [sflag:s8], $0x2000  }
0xf: {  	[sflag:s8] =	ssyncset.done $0x0  }
0x10: {  	s17 =	simm.s32 $0x2000;
	s30 =	rddreg [dreg:$0x3];
	[sflag:s8] =	ssyncadd.s32 $0xFFFFE000  }
0x11: {  	[tilespmem:s17], [sflag:$0x3] =	stream.linear.gather [hbm4b:s30+s2], $0x2000, $0x38;
	[tilespmem:$0xE800] =	vst v63  }
0x12: {  	_ =	swait.ge [sflag:s8], $0x2000  }
0x13: {  	[sflag:s8] =	ssyncset.done $0x0  }
0x14: {  	s31 =	simm.s32 $0x80;
	s18 =	simm.s32 $0x2032;
	[sflag:s8] =	ssyncadd.s32 $0xFFFFE000  }
0x15: {  	[tilespmem:s10], [sflag:$0x1] =	stream.indirect.gather [hbm4b:s3+s9], $0x80, s2, s9, $0xb8;
	[tilespmem:$0xE800] =	vst v63  }
0x16: {  	s19 =	simm.s32 $0x2080;
	s20 =	simm.s32 $0x20B2;
	s21 =	simm.s32 $0x0  }
0x17: {  	[tilespmem:s12], [sflag:$0x2] =	stream.indirect.gather [hbm4b:s3+s9], $0x80, s31, s9, $0xb8;
	[tilespmem:$0xE800] =	vst v63  }
.LBB2_2:
0x18: {  	v7 =	vmov s17;
	_ =	sdelay $0x1  }
0x19: {  	_ =	swait.ge [sflag:s13], $0x3200  }
0x1a: {  	[sflag:s13] =	ssyncset.done $0x0  }
0x1b: {  	s22 =	simm.s32 $0x0;
	[sflag:s13] =	ssyncadd.s32 $0xFFFFCE00  }
0x1c: {  	v0 =	vld.idx.msk [tilespmem:v7+s22+$0x0 ss:$0x1], $0xffff;
	_ =	sdelay $0x4  }
0x1d: {  	(v2sf) =	vpush v0, $0x0;
	_ =	sdelay $0x3  }
0x1e: {  	s0 =	simm.s32 $0x1  }
0x1f: {  	v0 =	vld.idx.msk [tilespmem:v7+s0+$0x0 ss:$0x1], $0xffff;
	_ =	sdelay $0x4  }
0x20: {  	(v2sf) =	vpush v0, $0x0;
	_ =	sdelay $0x4  }
0x21: {  	s28 =	simm.s32 $0x2;
	s23 =	spop (v2sf)  }
0x22: {  	s22 =	simm.s32 $0x4000;
	s24 =	sadd.s32 $0x30, s23;
	s26 =	sadd.s32 $0x10, s23  }
0x23: {  	s1 =	sadd.s32 $0x20, s23;
	s31 =	sand.u32 $0x7F, s23;
	s23 =	sshll.u32 s23, $0x2  }
0x24: {  	s25 =	sand.u32 $0x7F, s24;
	s24 =	sshll.u32 s24, $0x2;
	s29 =	sand.u32 $0x7F, s26  }
0x25: {  	v0 =	vld.idx.msk [tilespmem:v7+s28+$0x0 ss:$0x1], $0xffff;
	s26 =	sshll.u32 s26, $0x2;
	s24 =	sand.u32 $0xFFFFFE00, s24;
	s25 =	sshll.u32 s25, $0x2  }
0x26: {  	s30 =	sand.u32 $0x7F, s1;
	s23 =	sand.u32 $0xFFFFFE00, s23;
	s24 =	sor.u32 s25, s24  }
0x27: {  	s4 =	sshll.u32 s31, $0x2;
	s26 =	sand.u32 $0xFFFFFE00, s26;
	s24 =	sshra.s32 s24, $0x2  }
0x28: {  	s28 =	sshll.u32 s29, $0x2;
	s29 =	sshll.u32 s30, $0x2;
	s24 =	sadd.s32 $0x4000, s24  }
0x29: {  	s23 =	sor.u32 s4, s23;
	s25 =	sshll.u32 s1, $0x2;
	s26 =	sor.u32 s28, s26;
	v2 =	vld [tilespmem:s24+$0x0]  }
0x2a: {  	(v2sf) =	vpush v0, $0x0;
	s11 =	sshra.s32 s23, $0x2;
	s25 =	sand.u32 $0xFFFFFE00, s25;
	s5 =	sshra.s32 s26, $0x2  }
0x2b: {  	s23 =	spop (v2sf);
	s15 =	sadd.s32 $0x4000, s11;
	s25 =	sor.u32 s29, s25  }
0x2c: {  	s29 =	sadd.s32 $0x30, s23;
	v6 =	vld [tilespmem:s15+$0x0];
	s24 =	sadd.s32 $0x4000, s5;
	s25 =	sshra.s32 s25, $0x2  }
0x2d: {  	v1 =	vimm.f32 $0.0e+00;
	s26 =	simm.s32 $0x3;
	s28 =	sand.u32 $0x7F, s29;
	v4 =	vld [tilespmem:s24+$0x0];
	s31 =	sadd.s32 $0x4000, s25  }
0x2e: {  	v3 =	vimm.f32 $0.0e+00;
	s29 =	sshll.u32 s29, $0x2;
	s25 =	sadd.s32 $0x10, s23;
	s24 =	simm.s32 $0x10;
	v5 =	vld [tilespmem:s31+$0x0];
	v0 =	vadd.f32 v2, v1;
	v2 =	vimm.f32 $0.0e+00  }
.LBB2_3:
0x2f: {  	p0 =	sne.s32 s24, $0xC4;
	v8 =	vld.idx.msk [tilespmem:v7+s26+$0x0 ss:$0x1], $0xffff;
	s26 =	sand.u32 $0xFFFFFE00, s29  }
0x30: {  	s28 =	sshll.u32 s28, $0x2;
	s29 =	sand.u32 $0x7F, s25;
	s30 =	sadd.s32 $0x20, s23  }
0x31: {  	s25 =	sshll.u32 s25, $0x2;
	s22 =	sadd.s32 $0x80, s22;
	s26 =	sor.u32 s28, s26  }
0x32: {  	s31 =	sand.u32 $0x7F, s23;
	s23 =	sshll.u32 s23, $0x2;
	s26 =	sshra.s32 s26, $0x2;
	v1 =	vadd.f32 v4, v1  }
0x33: {  	s28 =	sand.u32 $0x7F, s30;
	s30 =	sshll.u32 s30, $0x2;
	s26 =	sadd.s32 s26, s22;
	v2 =	vadd.f32 v5, v2  }
0x34: {  	s25 =	sand.u32 $0xFFFFFE00, s25;
	s23 =	sand.u32 $0xFFFFFE00, s23;
	s28 =	sshll.u32 s28, $0x2;
	v5 =	vld [tilespmem:s26+$0x0];
	v3 =	vadd.f32 v6, v3  }
0x35: {  	s26 =	sshll.u32 s29, $0x2;
	s29 =	sand.u32 $0xFFFFFE00, s30;
	s30 =	sshll.u32 s31, $0x2  }
0x36: {  	s25 =	sor.u32 s26, s25;
	s23 =	sor.u32 s30, s23;
	(v2sf) =	vpush v8, $0x0  }
.Ltmp0:
0x37: {  	s26 =	sor.u32 s28, s29;
	s25 =	sshra.s32 s25, $0x2;
	(pc) =	sbr.rel @p0 .LBB2_3-.Ltmp0, $4  }
0x38: {  	s28 =	sshra.s32 s23, $0x2;
	s26 =	sshra.s32 s26, $0x2;
	s25 =	sadd.s32 s25, s22  }
0x39: {  	s30 =	sadd.s32 s28, s22;
	s28 =	sadd.s32 s26, s22;
	s23 =	spop (v2sf);
	v4 =	vld [tilespmem:s25+$0x0];
	v0 =	vadd.f32 v5, v0  }
0x3a: {  	s26 =	sshra.s32 s24, $0x2;
	s25 =	sadd.s32 $0x10, s23;
	s29 =	sadd.s32 $0x30, s23;
	v5 =	vld [tilespmem:s28+$0x0]  }
0x3b: {  	s24 =	sadd.s32 $0x4, s24;
	s28 =	sand.u32 $0x7F, s29;
	s29 =	sshll.u32 s29, $0x2;
	v6 =	vld [tilespmem:s30+$0x0]  }
0x3c: {  	_ =	sdelay $0x3  }
0x3d: {  	v7 =	vld.idx.msk [tilespmem:v7+s26+$0x0 ss:$0x1], $0xffff;
	s24 =	sand.u32 $0xFFFFFE00, s29  }
0x3e: {  	s15 =	sshll.u32 s28, $0x2;
	s28 =	sand.u32 $0x7F, s25;
	s31 =	sadd.s32 $0x20, s23  }
0x3f: {  	s0 =	sshll.u32 s25, $0x2;
	s22 =	sadd.s32 $0x80, s22;
	s30 =	sand.u32 $0x7F, s23  }
0x40: {  	s1 =	sshll.u32 s23, $0x2;
	s24 =	sor.u32 s15, s24;
	s29 =	sand.u32 $0x7F, s31  }
0x41: {  	s26 =	sshll.u32 s31, $0x2;
	s25 =	sand.u32 $0xFFFFFE00, s0;
	s28 =	sshll.u32 s28, $0x2  }
0x42: {  	s23 =	sand.u32 $0xFFFFFE00, s1;
	s30 =	sshll.u32 s30, $0x2;
	s24 =	sshra.s32 s24, $0x2;
	(v2sf) =	vpush v7, $0x0  }
0x43: {  	s26 =	sand.u32 $0xFFFFFE00, s26;
	s25 =	sor.u32 s28, s25;
	s28 =	sshll.u32 s29, $0x2  }
0x44: {  	s23 =	sor.u32 s30, s23;
	s24 =	sadd.s32 s24, s22;
	s25 =	sshra.s32 s25, $0x2  }
0x45: {  	s26 =	sor.u32 s28, s26;
	s23 =	sshra.s32 s23, $0x2;
	s25 =	sadd.s32 s25, s22  }
0x46: {  	s26 =	sshra.s32 s26, $0x2;
	s23 =	sadd.s32 s23, s22;
	s28 =	spop (v2sf)  }
0x47: {  	s26 =	sadd.s32 s26, s22;
	s22 =	sadd.s32 $0x80, s22;
	s29 =	sadd.s32 $0x30, s28  }
0x48: {  	s31 =	sadd.s32 $0x10, s28;
	s11 =	sand.u32 $0x7F, s28;
	s30 =	sand.u32 $0x7F, s29  }
0x49: {  	s29 =	sshll.u32 s29, $0x2;
	s1 =	sand.u32 $0x7F, s31;
	s31 =	sshll.u32 s31, $0x2  }
0x4a: {  	s11 =	sshll.u32 s11, $0x2;
	s29 =	sand.u32 $0xFFFFFE00, s29;
	s30 =	sshll.u32 s30, $0x2  }
0x4b: {  	s31 =	sand.u32 $0xFFFFFE00, s31;
	s1 =	sshll.u32 s1, $0x2;
	s29 =	sor.u32 s30, s29  }
0x4c: {  	s30 =	sadd.s32 $0x20, s28;
	s28 =	sshll.u32 s28, $0x2;
	s1 =	sor.u32 s1, s31  }
0x4d: {  	s29 =	sshra.s32 s29, $0x2;
	s0 =	sand.u32 $0x7F, s30;
	s30 =	sshll.u32 s30, $0x2  }
0x4e: {  	s28 =	sand.u32 $0xFFFFFE00, s28;
	s1 =	sshra.s32 s1, $0x2;
	s29 =	sadd.s32 s29, s22  }
0x4f: {  	s30 =	sand.u32 $0xFFFFFE00, s30;
	s0 =	sshll.u32 s0, $0x2;
	s11 =	sor.u32 s11, s28  }
0x50: {  	s1 =	sadd.s32 s1, s22;
	s0 =	sor.u32 s0, s30;
	s11 =	sshra.s32 s11, $0x2  }
0x51: {  	s0 =	sshra.s32 s0, $0x2;
	s11 =	sadd.s32 s11, s22;
	s28 =	spop (v2sf)  }
0x52: {  	s0 =	sadd.s32 s0, s22;
	s22 =	sadd.s32 $0x80, s22;
	s30 =	sadd.s32 $0x30, s28  }
0x53: {  	v7 =	vld [tilespmem:s24+$0x0];
	s5 =	sadd.s32 $0x10, s28;
	s15 =	sadd.s32 $0x20, s28;
	s4 =	sshll.u32 s30, $0x2  }
0x54: {  	v8 =	vld [tilespmem:s25+$0x0];
	s30 =	sand.u32 $0x7F, s30;
	s24 =	sshll.u32 s5, $0x2;
	s31 =	sand.u32 $0xFFFFFE00, s4  }
0x55: {  	v10 =	vld [tilespmem:s23+$0x0];
	s25 =	sshll.u32 s30, $0x2;
	s4 =	sand.u32 $0x7F, s28;
	s28 =	sshll.u32 s28, $0x2  }
0x56: {  	v9 =	vld [tilespmem:s26+$0x0];
	s30 =	sand.u32 $0x7F, s5;
	s24 =	sand.u32 $0xFFFFFE00, s24;
	s5 =	sand.u32 $0xFFFFFE00, s28  }
0x57: {  	v11 =	vld [tilespmem:s29+$0x0];
	s26 =	sshll.u32 s4, $0x2;
	s4 =	sand.u32 $0x7F, s15;
	s15 =	sshll.u32 s15, $0x2  }
0x58: {  	v12 =	vld [tilespmem:s1+$0x0];
	s23 =	sor.u32 s26, s5;
	s5 =	sshll.u32 s30, $0x2;
	s15 =	sand.u32 $0xFFFFFE00, s15  }
0x59: {  	v13 =	vld [tilespmem:s11+$0x0];
	s4 =	sshll.u32 s4, $0x2;
	s1 =	sor.u32 s5, s24;
	s23 =	sshra.s32 s23, $0x2  }
0x5a: {  	v3 =	vadd.f32 v6, v3;
	v6 =	vld [tilespmem:s0+$0x0];
	s15 =	sor.u32 s4, s15;
	s5 =	sshra.s32 s1, $0x2;
	s23 =	sadd.s32 s23, s22  }
0x5b: {  	v1 =	vadd.f32 v4, v1;
	s24 =	sor.u32 s25, s31;
	s1 =	sshra.s32 s15, $0x2;
	s0 =	sadd.s32 s5, s22;
	v4 =	vld [tilespmem:s23+$0x0]  }
0x5c: {  	v2 =	vadd.f32 v5, v2;
	v3 =	vadd.f32 v10, v3;
	s25 =	sshra.s32 s24, $0x2;
	s26 =	sadd.s32 s1, s22;
	v5 =	vld [tilespmem:s0+$0x0]  }
0x5d: {  	v1 =	vadd.f32 v8, v1;
	s31 =	sadd.s32 s25, s22;
	v8 =	vld [tilespmem:s26+$0x0]  }
0x5e: {  	v2 =	vadd.f32 v9, v2;
	v3 =	vadd.f32 v13, v3;
	v63 =	vld [tilespmem:s31+$0x0]  }
0x5f: {  	v0 =	vadd.f32 v7, v0;
	v1 =	vadd.f32 v12, v1  }
0x60: {  	v2 =	vadd.f32 v6, v2;
	s4 =	sshll.u32 s21, $0x9;
	v3 =	vadd.f32 v4, v3  }
0x61: {  	v0 =	vadd.f32 v11, v0;
	v6 =	vmov s18;
	s23 =	sand.u32 $0x3FFFFE00, s4;
	v1 =	vadd.f32 v5, v1  }
0x62: {  	v2 =	vadd.f32 v8, v2;
	[tilespmem:s23+$0xA800] =	vst v3  }
0x63: {  	v0 =	vadd.f32 v63, v0;
	[tilespmem:s23+$0xA810] =	vst v1  }
0x64: {  	[tilespmem:s23+$0xA820] =	vst v2  }
0x65: {  	s5 =	simm.s32 $0x0;
	[tilespmem:s23+$0xA830] =	vst v0  }
0x66: {  	v0 =	vld.idx.msk [tilespmem:v6+s5+$0x0 ss:$0x1], $0xffff;
	_ =	sdelay $0x4  }
0x67: {  	(v2sf) =	vpush v0, $0x0;
	_ =	sdelay $0x4  }
0x68: {  	s11 =	simm.s32 $0x1  }
0x69: {  	v0 =	vld.idx.msk [tilespmem:v6+s11+$0x0 ss:$0x1], $0xffff;
	_ =	sdelay $0x4  }
0x6a: {  	(v2sf) =	vpush v0, $0x0;
	_ =	sdelay $0x3  }
0x6b: {  	s22 =	simm.s32 $0x5900;
	s0 =	spop (v2sf)  }
0x6c: {  	s26 =	simm.s32 $0x2;
	s15 =	sadd.s32 $0x30, s0;
	s25 =	sadd.s32 $0x10, s0  }
0x6d: {  	s4 =	sadd.s32 $0x20, s0;
	s28 =	sand.u32 $0x7F, s0;
	s0 =	sshll.u32 s0, $0x2  }
0x6e: {  	s24 =	sand.u32 $0x7F, s15;
	s1 =	sshll.u32 s15, $0x2;
	s31 =	sand.u32 $0x7F, s25  }
0x6f: {  	v0 =	vld.idx.msk [tilespmem:v6+s26+$0x0 ss:$0x1], $0xffff;
	s15 =	sshll.u32 s25, $0x2;
	s1 =	sand.u32 $0xFFFFFE00, s1;
	s11 =	sshll.u32 s24, $0x2  }
0x70: {  	s5 =	sand.u32 $0x7F, s4;
	s0 =	sand.u32 $0xFFFFFE00, s0;
	s1 =	sor.u32 s11, s1  }
0x71: {  	s15 =	sand.u32 $0xFFFFFE00, s15;
	s31 =	sshll.u32 s31, $0x2;
	s1 =	sshra.s32 s1, $0x2  }
0x72: {  	s11 =	sshll.u32 s4, $0x2;
	s4 =	sshll.u32 s5, $0x2;
	s1 =	sadd.s32 $0x5900, s1  }
0x73: {  	s5 =	sshll.u32 s28, $0x2;
	s15 =	sor.u32 s31, s15;
	s28 =	simm.s32 $0x3;
	v2 =	vld [tilespmem:s1+$0x0]  }
0x74: {  	(v2sf) =	vpush v0, $0x0;
	s11 =	sand.u32 $0xFFFFFE00, s11;
	s0 =	sor.u32 s5, s0;
	s24 =	sshra.s32 s15, $0x2  }
0x75: {  	s11 =	sor.u32 s4, s11;
	s0 =	sshra.s32 s0, $0x2;
	s1 =	sadd.s32 $0x5900, s24  }
0x76: {  	s11 =	sshra.s32 s11, $0x2;
	s24 =	spop (v2sf);
	s0 =	sadd.s32 $0x5900, s0;
	v4 =	vld [tilespmem:s1+$0x0]  }
0x77: {  	v1 =	vimm.f32 $0.0e+00;
	s25 =	sadd.s32 $0x5900, s11;
	s26 =	sadd.s32 $0x10, s24;
	s31 =	sadd.s32 $0x30, s24;
	v7 =	vld [tilespmem:s0+$0x0]  }
0x78: {  	v3 =	vimm.f32 $0.0e+00;
	v5 =	vld [tilespmem:s25+$0x0];
	s25 =	simm.s32 $0x10;
	s29 =	sand.u32 $0x7F, s31;
	s30 =	sshll.u32 s31, $0x2;
	v0 =	vadd.f32 v2, v1;
	v2 =	vimm.f32 $0.0e+00  }
.LBB2_5:
0x79: {  	p0 =	sne.s32 s25, $0xC4;
	s0 =	sand.u32 $0xFFFFFE00, s30  }
0x7a: {  	v8 =	vld.idx.msk [tilespmem:v6+s28+$0x0 ss:$0x1], $0xffff;
	s1 =	sshll.u32 s29, $0x2;
	s11 =	sand.u32 $0x7F, s26;
	s15 =	sadd.s32 $0x20, s24  }
0x7b: {  	s22 =	sadd.s32 $0x80, s22;
	s28 =	sand.u32 $0x7F, s24;
	s0 =	sor.u32 s1, s0  }
0x7c: {  	s24 =	sshll.u32 s24, $0x2;
	s1 =	sshll.u32 s26, $0x2;
	s0 =	sshra.s32 s0, $0x2;
	v1 =	vadd.f32 v4, v1  }
0x7d: {  	s26 =	sand.u32 $0x7F, s15;
	s15 =	sshll.u32 s15, $0x2;
	s0 =	sadd.s32 s0, s22;
	v2 =	vadd.f32 v5, v2  }
0x7e: {  	s24 =	sand.u32 $0xFFFFFE00, s24;
	s1 =	sand.u32 $0xFFFFFE00, s1;
	v5 =	vld [tilespmem:s0+$0x0];
	v3 =	vadd.f32 v7, v3;
	s0 =	sshll.u32 s11, $0x2  }
0x7f: {  	s11 =	sand.u32 $0xFFFFFE00, s15;
	s15 =	sshll.u32 s26, $0x2;
	s26 =	sshll.u32 s28, $0x2  }
0x80: {  	s0 =	sor.u32 s0, s1;
	s1 =	sor.u32 s26, s24;
	(v2sf) =	vpush v8, $0x0  }
.Ltmp1:
0x81: {  	s11 =	sor.u32 s15, s11;
	s0 =	sshra.s32 s0, $0x2;
	(pc) =	sbr.rel @p0 .LBB2_5-.Ltmp1, $4  }
0x82: {  	s1 =	sshra.s32 s1, $0x2;
	s11 =	sshra.s32 s11, $0x2;
	s0 =	sadd.s32 s0, s22  }
0x83: {  	s1 =	sadd.s32 s1, s22;
	s24 =	spop (v2sf);
	v4 =	vld [tilespmem:s0+$0x0];
	s0 =	sadd.s32 s11, s22;
	v0 =	vadd.f32 v5, v0  }
0x84: {  	s28 =	sshra.s32 s25, $0x2;
	s26 =	sadd.s32 $0x10, s24;
	s11 =	sadd.s32 $0x30, s24;
	v5 =	vld [tilespmem:s0+$0x0]  }
0x85: {  	s25 =	sadd.s32 $0x4, s25;
	s29 =	sand.u32 $0x7F, s11;
	s30 =	sshll.u32 s11, $0x2;
	v7 =	vld [tilespmem:s1+$0x0]  }
0x86: {  	_ =	sdelay $0x3  }
0x87: {  	v6 =	vld.idx.msk [tilespmem:v6+s28+$0x0 ss:$0x1], $0xffff;
	s0 =	sand.u32 $0xFFFFFE00, s30;
	s1 =	sshll.u32 s29, $0x2  }
0x88: {  	s11 =	sand.u32 $0x7F, s26;
	s5 =	sadd.s32 $0x20, s24;
	s15 =	sshll.u32 s26, $0x2  }
0x89: {  	s22 =	sadd.s32 $0x80, s22;
	s4 =	sand.u32 $0x7F, s24;
	s0 =	sor.u32 s1, s0  }
0x8a: {  	s25 =	sand.u32 $0x7F, s5;
	s1 =	sshll.u32 s5, $0x2;
	s5 =	sshll.u32 s24, $0x2  }
0x8b: {  	s15 =	sand.u32 $0xFFFFFE00, s15;
	s11 =	sshll.u32 s11, $0x2;
	s26 =	sshll.u32 s4, $0x2  }
0x8c: {  	s0 =	sshra.s32 s0, $0x2;
	s1 =	sand.u32 $0xFFFFFE00, s1;
	s24 =	sand.u32 $0xFFFFFE00, s5;
	(v2sf) =	vpush v6, $0x0  }
0x8d: {  	s11 =	sor.u32 s11, s15;
	s25 =	sshll.u32 s25, $0x2;
	s0 =	sadd.s32 s0, s22  }
0x8e: {  	s24 =	sor.u32 s26, s24;
	s11 =	sshra.s32 s11, $0x2;
	s1 =	sor.u32 s25, s1  }
0x8f: {  	s26 =	sshra.s32 s24, $0x2;
	s11 =	sadd.s32 s11, s22;
	s1 =	sshra.s32 s1, $0x2  }
0x90: {  	s15 =	sadd.s32 s26, s22;
	s1 =	sadd.s32 s1, s22;
	s22 =	sadd.s32 $0x80, s22  }
0x91: {  	v10 =	vld [tilespmem:s15+$0x0];
	s15 =	sadd.s32 $0x80, s22;
	s24 =	spop (v2sf)  }
0x92: {  	s4 =	sadd.s32 $0x30, s24;
	s28 =	sadd.s32 $0x10, s24;
	s31 =	sand.u32 $0x7F, s24  }
0x93: {  	s5 =	sand.u32 $0x7F, s4;
	s25 =	sshll.u32 s4, $0x2;
	s29 =	sand.u32 $0x7F, s28  }
0x94: {  	s4 =	sadd.s32 $0x20, s24;
	s28 =	sshll.u32 s28, $0x2;
	s24 =	sshll.u32 s24, $0x2  }
0x95: {  	s31 =	sshll.u32 s31, $0x2;
	s25 =	sand.u32 $0xFFFFFE00, s25;
	s26 =	sshll.u32 s5, $0x2  }
0x96: {  	s30 =	sand.u32 $0x7F, s4;
	s28 =	sand.u32 $0xFFFFFE00, s28;
	s29 =	sshll.u32 s29, $0x2  }
0x97: {  	s24 =	sand.u32 $0xFFFFFE00, s24;
	s25 =	sor.u32 s26, s25;
	s26 =	sshll.u32 s4, $0x2  }
0x98: {  	s28 =	sor.u32 s29, s28;
	s29 =	sshll.u32 s30, $0x2;
	s24 =	sor.u32 s31, s24  }
0x99: {  	s25 =	sshra.s32 s25, $0x2;
	s26 =	sand.u32 $0xFFFFFE00, s26;
	s28 =	sshra.s32 s28, $0x2  }
0x9a: {  	s24 =	sshra.s32 s24, $0x2;
	s25 =	sadd.s32 s25, s22;
	s26 =	sor.u32 s29, s26  }
0x9b: {  	s28 =	sadd.s32 s28, s22;
	s26 =	sshra.s32 s26, $0x2;
	s29 =	spop (v2sf)  }
0x9c: {  	s24 =	sadd.s32 s24, s22;
	s26 =	sadd.s32 s26, s22;
	s30 =	sadd.s32 $0x30, s29  }
0x9d: {  	v9 =	vld [tilespmem:s1+$0x0];
	s5 =	sadd.s32 $0x10, s29;
	s4 =	sadd.s32 $0x20, s29;
	s1 =	sand.u32 $0x7F, s29  }
0x9e: {  	v6 =	vld [tilespmem:s0+$0x0];
	s29 =	sshll.u32 s29, $0x2;
	s31 =	sshll.u32 s30, $0x2;
	s30 =	sand.u32 $0x7F, s30  }
0x9f: {  	v11 =	vld [tilespmem:s25+$0x0];
	s0 =	sshll.u32 s5, $0x2;
	s1 =	sshll.u32 s1, $0x2;
	s25 =	sand.u32 $0x7F, s4  }
0xa0: {  	v8 =	vld [tilespmem:s11+$0x0];
	s4 =	sshll.u32 s4, $0x2;
	s31 =	sand.u32 $0xFFFFFE00, s31;
	s11 =	sshll.u32 s30, $0x2  }
0xa1: {  	s30 =	sand.u32 $0x7F, s5;
	s5 =	sand.u32 $0xFFFFFE00, s29;
	s0 =	sand.u32 $0xFFFFFE00, s0  }
0xa2: {  	v12 =	vld [tilespmem:s28+$0x0];
	s4 =	sand.u32 $0xFFFFFE00, s4;
	s22 =	sshll.u32 s25, $0x2;
	s1 =	sor.u32 s1, s5  }
0xa3: {  	v13 =	vld [tilespmem:s24+$0x0];
	s5 =	sshll.u32 s30, $0x2;
	s4 =	sor.u32 s22, s4;
	s1 =	sshra.s32 s1, $0x2  }
0xa4: {  	v1 =	vadd.f32 v4, v1;
	v3 =	vadd.f32 v7, v3;
	v7 =	vld [tilespmem:s26+$0x0];
	s0 =	sor.u32 s5, s0;
	s4 =	sshra.s32 s4, $0x2;
	s1 =	sadd.s32 s1, s15  }
0xa5: {  	v2 =	vadd.f32 v5, v2;
	s11 =	sor.u32 s11, s31;
	s0 =	sshra.s32 s0, $0x2;
	s26 =	sadd.s32 s4, s15;
	v4 =	vld [tilespmem:s1+$0x0]  }
0xa6: {  	v1 =	vadd.f32 v8, v1;
	v3 =	vadd.f32 v10, v3;
	s25 =	sshra.s32 s11, $0x2;
	s0 =	sadd.s32 s0, s15;
	v8 =	vld [tilespmem:s26+$0x0]  }
0xa7: {  	v2 =	vadd.f32 v9, v2;
	s1 =	sadd.s32 s25, s15;
	v5 =	vld [tilespmem:s0+$0x0]  }
0xa8: {  	v3 =	vadd.f32 v13, v3;
	v63 =	vld [tilespmem:s1+$0x0]  }
0xa9: {  	v0 =	vadd.f32 v6, v0;
	v2 =	vadd.f32 v7, v2  }
0xaa: {  	v1 =	vadd.f32 v12, v1;
	v3 =	vadd.f32 v4, v3  }
0xab: {  	v0 =	vadd.f32 v11, v0;
	v2 =	vadd.f32 v8, v2  }
0xac: {  	s22 =	sshll.u32 s21, $0x1;
	v1 =	vadd.f32 v5, v1;
	[tilespmem:s23+$0xA880] =	vst v3  }
0xad: {  	s4 =	smin.u32 s22, $0x3D;
	v0 =	vadd.f32 v63, v0;
	[tilespmem:s23+$0xA8A0] =	vst v2  }
0xae: {  	s0 =	sshll.u32 s4, $0x7;
	[tilespmem:s23+$0xA890] =	vst v1  }
0xaf: {  	v7 =	vmov s19;
	s0 =	sadd.s32 $0x100, s0;
	[tilespmem:s23+$0xA8B0] =	vst v0  }
0xb0: {  	[tilespmem:s10], [sflag:$0x1] =	stream.indirect.gather [hbm4b:s3+s9], $0x80, s0, s9, $0xb8;
	[tilespmem:$0xE800] =	vst v63  }
0xb1: {  	_ =	swait.ge [sflag:s14], $0x3200  }
0xb2: {  	[sflag:s14] =	ssyncset.done $0x0  }
0xb3: {  	s5 =	simm.s32 $0x0;
	[sflag:s14] =	ssyncadd.s32 $0xFFFFCE00  }
0xb4: {  	v0 =	vld.idx.msk [tilespmem:v7+s5+$0x0 ss:$0x1], $0xffff;
	_ =	sdelay $0x4  }
0xb5: {  	(v2sf) =	vpush v0, $0x0;
	_ =	sdelay $0x4  }
0xb6: {  	s11 =	simm.s32 $0x1  }
0xb7: {  	v0 =	vld.idx.msk [tilespmem:v7+s11+$0x0 ss:$0x1], $0xffff;
	_ =	sdelay $0x4  }
0xb8: {  	(v2sf) =	vpush v0, $0x0;
	_ =	sdelay $0x3  }
0xb9: {  	s24 =	simm.s32 $0x7400;
	s29 =	simm.s32 $0x3;
	s0 =	spop (v2sf)  }
0xba: {  	s23 =	sshllo.u32 s21, $0x1;
	s15 =	sadd.s32 $0x30, s0;
	s26 =	sadd.s32 $0x10, s0  }
0xbb: {  	s5 =	sadd.s32 $0x20, s0;
	s28 =	sand.u32 $0x7F, s0;
	s0 =	sshll.u32 s0, $0x2  }
0xbc: {  	s25 =	sand.u32 $0x7F, s15;
	s1 =	sshll.u32 s15, $0x2;
	s15 =	simm.s32 $0x2  }
0xbd: {  	s11 =	sshll.u32 s26, $0x2;
	s1 =	sand.u32 $0xFFFFFE00, s1;
	s4 =	sshll.u32 s25, $0x2;
	v0 =	vld.idx.msk [tilespmem:v7+s15+$0x0 ss:$0x1], $0xffff  }
0xbe: {  	s0 =	sand.u32 $0xFFFFFE00, s0;
	s25 =	sand.u32 $0x7F, s26;
	s1 =	sor.u32 s4, s1  }
0xbf: {  	s26 =	sand.u32 $0x7F, s5;
	s11 =	sand.u32 $0xFFFFFE00, s11;
	s1 =	sshra.s32 s1, $0x2  }
0xc0: {  	s4 =	sshll.u32 s5, $0x2;
	s5 =	sshll.u32 s25, $0x2;
	s1 =	sadd.s32 $0x7400, s1  }
0xc1: {  	s25 =	sshll.u32 s26, $0x2;
	s26 =	sshll.u32 s28, $0x2;
	s11 =	sor.u32 s5, s11;
	v2 =	vld [tilespmem:s1+$0x0]  }
0xc2: {  	s4 =	sand.u32 $0xFFFFFE00, s4;
	s0 =	sor.u32 s26, s0;
	s5 =	sshra.s32 s11, $0x2;
	(v2sf) =	vpush v0, $0x0  }
0xc3: {  	s4 =	sor.u32 s25, s4;
	s0 =	sshra.s32 s0, $0x2;
	s1 =	sadd.s32 $0x7400, s5  }
0xc4: {  	s25 =	spop (v2sf);
	s4 =	sshra.s32 s4, $0x2;
	s0 =	sadd.s32 $0x7400, s0;
	v4 =	vld [tilespmem:s1+$0x0]  }
0xc5: {  	v1 =	vimm.f32 $0.0e+00;
	s26 =	simm.s32 $0x10;
	s15 =	sadd.s32 $0x30, s25;
	s11 =	sadd.s32 $0x7400, s4;
	v6 =	vld [tilespmem:s0+$0x0]  }
0xc6: {  	v3 =	vimm.f32 $0.0e+00;
	s28 =	sadd.s32 $0x10, s25;
	s30 =	sand.u32 $0x7F, s15;
	s31 =	sshll.u32 s15, $0x2;
	v5 =	vld [tilespmem:s11+$0x0];
	v0 =	vadd.f32 v2, v1;
	v2 =	vimm.f32 $0.0e+00  }
.LBB2_7:
0xc7: {  	p0 =	sne.s32 s26, $0xC4;
	s0 =	sand.u32 $0xFFFFFE00, s31  }
0xc8: {  	v8 =	vld.idx.msk [tilespmem:v7+s29+$0x0 ss:$0x1], $0xffff;
	s1 =	sshll.u32 s30, $0x2;
	s4 =	sand.u32 $0x7F, s28;
	s11 =	sadd.s32 $0x20, s25  }
0xc9: {  	s24 =	sadd.s32 $0x80, s24;
	s0 =	sor.u32 s1, s0;
	s1 =	sshll.u32 s28, $0x2  }
0xca: {  	s15 =	sand.u32 $0x7F, s11;
	s11 =	sshll.u32 s11, $0x2;
	s0 =	sshra.s32 s0, $0x2;
	v1 =	vadd.f32 v4, v1  }
0xcb: {  	s28 =	sand.u32 $0x7F, s25;
	s25 =	sshll.u32 s25, $0x2;
	s0 =	sadd.s32 s0, s24;
	v2 =	vadd.f32 v5, v2  }
0xcc: {  	s1 =	sand.u32 $0xFFFFFE00, s1;
	v5 =	vld [tilespmem:s0+$0x0];
	v3 =	vadd.f32 v6, v3;
	s0 =	sshll.u32 s4, $0x2;
	s4 =	sand.u32 $0xFFFFFE00, s11  }
0xcd: {  	s11 =	sshll.u32 s15, $0x2;
	s15 =	sand.u32 $0xFFFFFE00, s25;
	s25 =	sshll.u32 s28, $0x2  }
0xce: {  	s0 =	sor.u32 s0, s1;
	s1 =	sor.u32 s25, s15;
	(v2sf) =	vpush v8, $0x0  }
.Ltmp2:
0xcf: {  	s4 =	sor.u32 s11, s4;
	s0 =	sshra.s32 s0, $0x2;
	(pc) =	sbr.rel @p0 .LBB2_7-.Ltmp2, $4  }
0xd0: {  	s1 =	sshra.s32 s1, $0x2;
	s4 =	sshra.s32 s4, $0x2;
	s0 =	sadd.s32 s0, s24  }
0xd1: {  	s1 =	sadd.s32 s1, s24;
	s25 =	spop (v2sf);
	v4 =	vld [tilespmem:s0+$0x0];
	s0 =	sadd.s32 s4, s24;
	v0 =	vadd.f32 v5, v0  }
0xd2: {  	s29 =	sshra.s32 s26, $0x2;
	s28 =	sadd.s32 $0x10, s25;
	s4 =	sadd.s32 $0x30, s25;
	v5 =	vld [tilespmem:s0+$0x0]  }
0xd3: {  	s26 =	sadd.s32 $0x4, s26;
	s30 =	sand.u32 $0x7F, s4;
	s31 =	sshll.u32 s4, $0x2;
	v6 =	vld [tilespmem:s1+$0x0]  }
0xd4: {  	_ =	sdelay $0x3  }
0xd5: {  	v7 =	vld.idx.msk [tilespmem:v7+s29+$0x0 ss:$0x1], $0xffff;
	s0 =	sand.u32 $0xFFFFFE00, s31;
	s1 =	sshll.u32 s30, $0x2  }
0xd6: {  	s4 =	sand.u32 $0x7F, s28;
	s26 =	sadd.s32 $0x20, s25;
	s11 =	sshll.u32 s28, $0x2  }
0xd7: {  	s15 =	sadd.s32 $0x80, s24;
	s5 =	sshll.u32 s25, $0x2;
	s0 =	sor.u32 s1, s0  }
0xd8: {  	s24 =	sand.u32 $0x7F, s26;
	s1 =	sshll.u32 s26, $0x2;
	s26 =	sand.u32 $0x7F, s25  }
0xd9: {  	s11 =	sand.u32 $0xFFFFFE00, s11;
	s4 =	sshll.u32 s4, $0x2;
	s25 =	sand.u32 $0xFFFFFE00, s5  }
0xda: {  	s0 =	sshra.s32 s0, $0x2;
	s1 =	sand.u32 $0xFFFFFE00, s1;
	s26 =	sshll.u32 s26, $0x2;
	(v2sf) =	vpush v7, $0x0  }
0xdb: {  	s4 =	sor.u32 s4, s11;
	s24 =	sshll.u32 s24, $0x2;
	s0 =	sadd.s32 s0, s15  }
0xdc: {  	s5 =	sor.u32 s26, s25;
	s4 =	sshra.s32 s4, $0x2;
	s1 =	sor.u32 s24, s1  }
0xdd: {  	s25 =	sshra.s32 s5, $0x2;
	s4 =	sadd.s32 s4, s15;
	s1 =	sshra.s32 s1, $0x2  }
0xde: {  	s11 =	sadd.s32 s25, s15;
	s1 =	sadd.s32 s1, s15;
	s15 =	sadd.s32 $0x80, s15  }
0xdf: {  	v10 =	vld [tilespmem:s11+$0x0];
	s11 =	sadd.s32 $0x80, s15;
	s24 =	spop (v2sf)  }
0xe0: {  	s26 =	sadd.s32 $0x30, s24;
	s28 =	sadd.s32 $0x10, s24;
	s31 =	sand.u32 $0x7F, s24  }
0xe1: {  	s5 =	sand.u32 $0x7F, s26;
	s25 =	sshll.u32 s26, $0x2;
	s29 =	sand.u32 $0x7F, s28  }
0xe2: {  	s28 =	sshll.u32 s28, $0x2;
	s31 =	sshll.u32 s31, $0x2;
	s25 =	sand.u32 $0xFFFFFE00, s25  }
0xe3: {  	s26 =	sshll.u32 s5, $0x2;
	s5 =	sadd.s32 $0x20, s24;
	s24 =	sshll.u32 s24, $0x2  }
0xe4: {  	s28 =	sand.u32 $0xFFFFFE00, s28;
	s29 =	sshll.u32 s29, $0x2;
	s25 =	sor.u32 s26, s25  }
0xe5: {  	s30 =	sand.u32 $0x7F, s5;
	s26 =	sshll.u32 s5, $0x2;
	s24 =	sand.u32 $0xFFFFFE00, s24  }
0xe6: {  	s28 =	sor.u32 s29, s28;
	s25 =	sshra.s32 s25, $0x2;
	s26 =	sand.u32 $0xFFFFFE00, s26  }
0xe7: {  	s29 =	sshll.u32 s30, $0x2;
	s24 =	sor.u32 s31, s24;
	s28 =	sshra.s32 s28, $0x2  }
0xe8: {  	s25 =	sadd.s32 s25, s15;
	s26 =	sor.u32 s29, s26;
	s24 =	sshra.s32 s24, $0x2  }
0xe9: {  	s28 =	sadd.s32 s28, s15;
	s26 =	sshra.s32 s26, $0x2;
	s29 =	spop (v2sf)  }
0xea: {  	v7 =	vld [tilespmem:s0+$0x0];
	s24 =	sadd.s32 s24, s15;
	s26 =	sadd.s32 s26, s15;
	s30 =	sadd.s32 $0x30, s29  }
0xeb: {  	v9 =	vld [tilespmem:s1+$0x0];
	s0 =	sadd.s32 $0x10, s29;
	s5 =	sadd.s32 $0x20, s29;
	s1 =	sand.u32 $0x7F, s29  }
0xec: {  	s29 =	sshll.u32 s29, $0x2;
	s31 =	sshll.u32 s30, $0x2;
	s30 =	sand.u32 $0x7F, s30  }
0xed: {  	s15 =	sand.u32 $0xFFFFFE00, s29;
	s1 =	sshll.u32 s1, $0x2;
	s31 =	sand.u32 $0xFFFFFE00, s31  }
0xee: {  	v8 =	vld [tilespmem:s4+$0x0];
	s4 =	sshll.u32 s30, $0x2;
	s30 =	sand.u32 $0x7F, s0;
	s0 =	sshll.u32 s0, $0x2  }
0xef: {  	v11 =	vld [tilespmem:s25+$0x0];
	s1 =	sor.u32 s1, s15;
	s15 =	sand.u32 $0x7F, s5;
	s5 =	sshll.u32 s5, $0x2  }
0xf0: {  	v12 =	vld [tilespmem:s28+$0x0];
	s0 =	sand.u32 $0xFFFFFE00, s0;
	s25 =	sshll.u32 s30, $0x2;
	s5 =	sand.u32 $0xFFFFFE00, s5  }
0xf1: {  	v13 =	vld [tilespmem:s24+$0x0];
	s15 =	sshll.u32 s15, $0x2;
	s1 =	sshra.s32 s1, $0x2;
	s4 =	sor.u32 s4, s31  }
0xf2: {  	v3 =	vadd.f32 v6, v3;
	v6 =	vld [tilespmem:s26+$0x0];
	s0 =	sor.u32 s25, s0;
	s1 =	sadd.s32 s1, s11;
	s25 =	sshra.s32 s4, $0x2  }
0xf3: {  	v1 =	vadd.f32 v4, v1;
	s5 =	sor.u32 s15, s5;
	s0 =	sshra.s32 s0, $0x2;
	v4 =	vld [tilespmem:s1+$0x0];
	s1 =	sadd.s32 s25, s11  }
0xf4: {  	v3 =	vadd.f32 v10, v3;
	s5 =	sshra.s32 s5, $0x2;
	s0 =	sadd.s32 s0, s11;
	v63 =	vld [tilespmem:s1+$0x0]  }
0xf5: {  	v2 =	vadd.f32 v5, v2;
	v0 =	vadd.f32 v7, v0;
	s26 =	sadd.s32 s5, s11;
	v5 =	vld [tilespmem:s0+$0x0]  }
0xf6: {  	v1 =	vadd.f32 v8, v1;
	v3 =	vadd.f32 v13, v3;
	v8 =	vld [tilespmem:s26+$0x0]  }
0xf7: {  	v2 =	vadd.f32 v9, v2;
	v0 =	vadd.f32 v11, v0  }
0xf8: {  	v1 =	vadd.f32 v12, v1;
	s1 =	sshll.u32 s23, $0x8;
	v3 =	vadd.f32 v4, v3  }
0xf9: {  	v2 =	vadd.f32 v6, v2;
	v6 =	vmov s20;
	s23 =	sand.u32 $0x3FFFFF00, s1;
	v0 =	vadd.f32 v63, v0  }
0xfa: {  	v1 =	vadd.f32 v5, v1;
	[tilespmem:s23+$0xA800] =	vst v3  }
0xfb: {  	v2 =	vadd.f32 v8, v2;
	[tilespmem:s23+$0xA830] =	vst v0  }
0xfc: {  	[tilespmem:s23+$0xA810] =	vst v1  }
0xfd: {  	s4 =	simm.s32 $0x0;
	[tilespmem:s23+$0xA820] =	vst v2  }
0xfe: {  	v0 =	vld.idx.msk [tilespmem:v6+s4+$0x0 ss:$0x1], $0xffff;
	_ =	sdelay $0x4  }
0xff: {  	(v2sf) =	vpush v0, $0x0;
	_ =	sdelay $0x4  }
0x100: {  	s5 =	simm.s32 $0x1  }
0x101: {  	v0 =	vld.idx.msk [tilespmem:v6+s5+$0x0 ss:$0x1], $0xffff;
	_ =	sdelay $0x4  }
0x102: {  	(v2sf) =	vpush v0, $0x0;
	_ =	sdelay $0x3  }
0x103: {  	s24 =	simm.s32 $0x8D00;
	s0 =	spop (v2sf)  }
0x104: {  	s29 =	simm.s32 $0x3;
	s11 =	sadd.s32 $0x30, s0;
	s25 =	sadd.s32 $0x10, s0  }
0x105: {  	s26 =	sadd.s32 $0x20, s0;
	s15 =	sand.u32 $0x7F, s11;
	s1 =	sshll.u32 s11, $0x2  }
0x106: {  	s11 =	simm.s32 $0x2;
	s5 =	sshll.u32 s25, $0x2;
	s1 =	sand.u32 $0xFFFFFE00, s1  }
0x107: {  	s4 =	sshll.u32 s15, $0x2;
	s15 =	sand.u32 $0x7F, s25;
	s25 =	sand.u32 $0x7F, s26;
	v0 =	vld.idx.msk [tilespmem:v6+s11+$0x0 ss:$0x1], $0xffff  }
0x108: {  	s5 =	sand.u32 $0xFFFFFE00, s5;
	s1 =	sor.u32 s4, s1;
	s4 =	sshll.u32 s26, $0x2  }
0x109: {  	s26 =	sand.u32 $0x7F, s0;
	s0 =	sshll.u32 s0, $0x2;
	s1 =	sshra.s32 s1, $0x2  }
0x10a: {  	s15 =	sshll.u32 s15, $0x2;
	s25 =	sshll.u32 s25, $0x2;
	s1 =	sadd.s32 $0x8D00, s1  }
0x10b: {  	s4 =	sand.u32 $0xFFFFFE00, s4;
	s0 =	sand.u32 $0xFFFFFE00, s0;
	s5 =	sor.u32 s15, s5;
	v2 =	vld [tilespmem:s1+$0x0]  }
0x10c: {  	s26 =	sshll.u32 s26, $0x2;
	s5 =	sshra.s32 s5, $0x2;
	s4 =	sor.u32 s25, s4;
	(v2sf) =	vpush v0, $0x0  }
0x10d: {  	s0 =	sor.u32 s26, s0;
	s1 =	sadd.s32 $0x8D00, s5;
	s4 =	sshra.s32 s4, $0x2  }
0x10e: {  	s25 =	spop (v2sf);
	s0 =	sshra.s32 s0, $0x2;
	v4 =	vld [tilespmem:s1+$0x0];
	s11 =	sadd.s32 $0x8D00, s4  }
0x10f: {  	v1 =	vimm.f32 $0.0e+00;
	s26 =	simm.s32 $0x10;
	s15 =	sadd.s32 $0x30, s25;
	s0 =	sadd.s32 $0x8D00, s0;
	v5 =	vld [tilespmem:s11+$0x0]  }
0x110: {  	v3 =	vimm.f32 $0.0e+00;
	s28 =	sadd.s32 $0x10, s25;
	s30 =	sand.u32 $0x7F, s15;
	s31 =	sshll.u32 s15, $0x2;
	v7 =	vld [tilespmem:s0+$0x0];
	v0 =	vadd.f32 v2, v1;
	v2 =	vimm.f32 $0.0e+00  }
.LBB2_9:
0x111: {  	p0 =	sne.s32 s26, $0xC4;
	s0 =	sand.u32 $0xFFFFFE00, s31  }
0x112: {  	v8 =	vld.idx.msk [tilespmem:v6+s29+$0x0 ss:$0x1], $0xffff;
	s1 =	sshll.u32 s30, $0x2;
	s4 =	sand.u32 $0x7F, s28;
	s5 =	sadd.s32 $0x20, s25  }
0x113: {  	s24 =	sadd.s32 $0x80, s24;
	s15 =	sand.u32 $0x7F, s25;
	s0 =	sor.u32 s1, s0  }
0x114: {  	s25 =	sshll.u32 s25, $0x2;
	s1 =	sshll.u32 s28, $0x2;
	s0 =	sshra.s32 s0, $0x2;
	v1 =	vadd.f32 v4, v1  }
0x115: {  	s11 =	sand.u32 $0x7F, s5;
	s5 =	sshll.u32 s5, $0x2;
	s0 =	sadd.s32 s0, s24;
	v2 =	vadd.f32 v5, v2  }
0x116: {  	s15 =	sshll.u32 s15, $0x2;
	s1 =	sand.u32 $0xFFFFFE00, s1;
	v5 =	vld [tilespmem:s0+$0x0];
	v3 =	vadd.f32 v7, v3;
	s0 =	sshll.u32 s4, $0x2  }
0x117: {  	s4 =	sand.u32 $0xFFFFFE00, s5;
	s5 =	sshll.u32 s11, $0x2;
	s11 =	sand.u32 $0xFFFFFE00, s25  }
0x118: {  	s0 =	sor.u32 s0, s1;
	s1 =	sor.u32 s15, s11;
	(v2sf) =	vpush v8, $0x0  }
.Ltmp3:
0x119: {  	s4 =	sor.u32 s5, s4;
	s0 =	sshra.s32 s0, $0x2;
	(pc) =	sbr.rel @p0 .LBB2_9-.Ltmp3, $4  }
0x11a: {  	s1 =	sshra.s32 s1, $0x2;
	s4 =	sshra.s32 s4, $0x2;
	s0 =	sadd.s32 s0, s24  }
0x11b: {  	s1 =	sadd.s32 s1, s24;
	s25 =	spop (v2sf);
	v4 =	vld [tilespmem:s0+$0x0];
	s0 =	sadd.s32 s4, s24;
	v0 =	vadd.f32 v5, v0  }
0x11c: {  	s29 =	sshra.s32 s26, $0x2;
	s28 =	sadd.s32 $0x10, s25;
	s4 =	sadd.s32 $0x30, s25;
	v5 =	vld [tilespmem:s0+$0x0]  }
0x11d: {  	s26 =	sadd.s32 $0x4, s26;
	s30 =	sand.u32 $0x7F, s4;
	s31 =	sshll.u32 s4, $0x2;
	v7 =	vld [tilespmem:s1+$0x0]  }
0x11e: {  	_ =	sdelay $0x3  }
0x11f: {  	v6 =	vld.idx.msk [tilespmem:v6+s29+$0x0 ss:$0x1], $0xffff;
	s0 =	sand.u32 $0xFFFFFE00, s31  }
0x120: {  	s1 =	sshll.u32 s30, $0x2;
	s4 =	sand.u32 $0x7F, s28;
	s29 =	sadd.s32 $0x20, s25  }
0x121: {  	s5 =	sshll.u32 s28, $0x2;
	s11 =	sadd.s32 $0x80, s24;
	s30 =	sand.u32 $0x7F, s25  }
0x122: {  	s31 =	sshll.u32 s25, $0x2;
	s0 =	sor.u32 s1, s0;
	s15 =	sand.u32 $0x7F, s29  }
0x123: {  	s1 =	sshll.u32 s29, $0x2;
	s5 =	sand.u32 $0xFFFFFE00, s5;
	s4 =	sshll.u32 s4, $0x2  }
0x124: {  	s25 =	sand.u32 $0xFFFFFE00, s31;
	s24 =	sshll.u32 s30, $0x2;
	s0 =	sshra.s32 s0, $0x2;
	(v2sf) =	vpush v6, $0x0  }
0x125: {  	s1 =	sand.u32 $0xFFFFFE00, s1;
	s4 =	sor.u32 s4, s5;
	s15 =	sshll.u32 s15, $0x2  }
0x126: {  	s25 =	sor.u32 s24, s25;
	s0 =	sadd.s32 s0, s11;
	s4 =	sshra.s32 s4, $0x2  }
0x127: {  	s1 =	sor.u32 s15, s1;
	s26 =	sshra.s32 s25, $0x2;
	s4 =	sadd.s32 s4, s11  }
0x128: {  	s1 =	sshra.s32 s1, $0x2;
	s5 =	sadd.s32 s26, s11;
	s15 =	spop (v2sf)  }
0x129: {  	s1 =	sadd.s32 s1, s11;
	s11 =	sadd.s32 $0x80, s11;
	s28 =	sadd.s32 $0x30, s15  }
0x12a: {  	s26 =	sadd.s32 $0x10, s15;
	s30 =	sadd.s32 $0x20, s15;
	s31 =	sand.u32 $0x7F, s15  }
0x12b: {  	s15 =	sshll.u32 s15, $0x2;
	s29 =	sand.u32 $0x7F, s28;
	s24 =	sshll.u32 s28, $0x2  }
0x12c: {  	s28 =	sand.u32 $0x7F, s26;
	s26 =	sshll.u32 s26, $0x2;
	s15 =	sand.u32 $0xFFFFFE00, s15  }
0x12d: {  	s24 =	sand.u32 $0xFFFFFE00, s24;
	s25 =	sshll.u32 s29, $0x2;
	s29 =	sand.u32 $0x7F, s30  }
0x12e: {  	s26 =	sand.u32 $0xFFFFFE00, s26;
	s28 =	sshll.u32 s28, $0x2;
	s24 =	sor.u32 s25, s24  }
0x12f: {  	s25 =	sshll.u32 s30, $0x2;
	s30 =	sshll.u32 s31, $0x2;
	s26 =	sor.u32 s28, s26  }
0x130: {  	s29 =	sshll.u32 s29, $0x2;
	s24 =	sshra.s32 s24, $0x2;
	s25 =	sand.u32 $0xFFFFFE00, s25  }
0x131: {  	s15 =	sor.u32 s30, s15;
	s26 =	sshra.s32 s26, $0x2;
	s24 =	sadd.s32 s24, s11  }
0x132: {  	s25 =	sor.u32 s29, s25;
	s15 =	sshra.s32 s15, $0x2;
	s26 =	sadd.s32 s26, s11  }
0x133: {  	s25 =	sshra.s32 s25, $0x2;
	s15 =	sadd.s32 s15, s11;
	s28 =	spop (v2sf)  }
0x134: {  	v58 =	vld [tilespmem:s0+$0x0];
	s25 =	sadd.s32 s25, s11;
	s11 =	sadd.s32 $0x80, s11;
	s29 =	sadd.s32 $0x30, s28  }
0x135: {  	v9 =	vld [tilespmem:s1+$0x0];
	s0 =	sadd.s32 $0x10, s28;
	s1 =	sadd.s32 $0x20, s28;
	s31 =	sshll.u32 s29, $0x2  }
0x136: {  	v12 =	vld [tilespmem:s26+$0x0];
	s29 =	sand.u32 $0x7F, s29;
	s26 =	sand.u32 $0x7F, s1;
	s1 =	sshll.u32 s1, $0x2  }
0x137: {  	s30 =	sand.u32 $0xFFFFFE00, s31;
	s31 =	sand.u32 $0x7F, s0;
	s0 =	sshll.u32 s0, $0x2  }
0x138: {  	v8 =	vld [tilespmem:s4+$0x0];
	s4 =	sshll.u32 s29, $0x2;
	s0 =	sand.u32 $0xFFFFFE00, s0;
	s29 =	sshll.u32 s31, $0x2  }
0x139: {  	v10 =	vld [tilespmem:s5+$0x0];
	s1 =	sand.u32 $0xFFFFFE00, s1;
	s4 =	sor.u32 s4, s30;
	s0 =	sor.u32 s29, s0  }
0x13a: {  	v11 =	vld [tilespmem:s24+$0x0];
	s29 =	sand.u32 $0x7F, s28;
	s28 =	sshll.u32 s28, $0x2;
	s4 =	sshra.s32 s4, $0x2  }
0x13b: {  	v13 =	vld [tilespmem:s15+$0x0];
	s31 =	sand.u32 $0xFFFFFE00, s28;
	s5 =	sshll.u32 s29, $0x2;
	s28 =	sshll.u32 s26, $0x2  }
0x13c: {  	v59 =	vld [tilespmem:s25+$0x0];
	s0 =	sshra.s32 s0, $0x2;
	s30 =	sadd.s32 s4, s11;
	s5 =	sor.u32 s5, s31  }
0x13d: {  	v1 =	vadd.f32 v4, v1;
	s1 =	sor.u32 s28, s1;
	s0 =	sadd.s32 s0, s11;
	v63 =	vld [tilespmem:s30+$0x0];
	s5 =	sshra.s32 s5, $0x2  }
0x13e: {  	v3 =	vadd.f32 v7, v3;
	v0 =	vadd.f32 v58, v0;
	s1 =	sshra.s32 s1, $0x2;
	v61 =	vld [tilespmem:s0+$0x0];
	s5 =	sadd.s32 s5, s11  }
0x13f: {  	v2 =	vadd.f32 v5, v2;
	v1 =	vadd.f32 v8, v1;
	s29 =	sadd.s32 s1, s11;
	v60 =	vld [tilespmem:s5+$0x0]  }
0x140: {  	v3 =	vadd.f32 v10, v3;
	v0 =	vadd.f32 v11, v0;
	v62 =	vld [tilespmem:s29+$0x0]  }
0x141: {  	v2 =	vadd.f32 v9, v2;
	v1 =	vadd.f32 v12, v1  }
0x142: {  	s21 =	sadd.s32 $0x1, s21;
	v3 =	vadd.f32 v13, v3;
	v0 =	vadd.f32 v63, v0  }
0x143: {  	p0 =	sne.s32 s21, $0x20;
	v2 =	vadd.f32 v59, v2;
	v1 =	vadd.f32 v61, v1  }
.Ltmp4:
0x144: {  	[tilespmem:s23+$0xA8B0] =	vst v0;
	v3 =	vadd.f32 v60, v3;
	(pc) =	sbr.rel @p0 .LBB2_2-.Ltmp4, $4  }
0x145: {  	s31 =	smin.u32 s22, $0x3C;
	v2 =	vadd.f32 v62, v2;
	[tilespmem:s23+$0xA890] =	vst v1  }
0x146: {  	s17 =	sadd.s32 $0x100, s17;
	s18 =	sadd.s32 $0x100, s18;
	s0 =	sshll.u32 s31, $0x7;
	[tilespmem:s23+$0xA880] =	vst v3  }
0x147: {  	s19 =	sadd.s32 $0x100, s19;
	s20 =	sadd.s32 $0x100, s20;
	s0 =	sadd.s32 $0x180, s0;
	[tilespmem:s23+$0xA8A0] =	vst v2  }
0x148: {  	[tilespmem:s12], [sflag:$0x2] =	stream.indirect.gather [hbm4b:s3+s9], $0x80, s0, s9, $0xb8;
	[tilespmem:$0xE800] =	vst v63  }
0x149: {  	_ =	swait.ge [sflag:s13], $0x3200  }
0x14a: {  	[sflag:s13] =	ssyncset.done $0x0  }
0x14b: {  	[sflag:s13] =	ssyncadd.s32 $0xFFFFCE00  }
0x14c: {  	s16 =	sadd.s32 $0x1, s16;
	_ =	swait.ge [sflag:s14], $0x3200  }
0x14d: {  	p0 =	sne.s32 s16, s7;
	[sflag:s14] =	ssyncset.done $0x0  }
.Ltmp5:
0x14e: {  	s0 =	simm.s32 $0xA800;
	[sflag:s14] =	ssyncadd.s32 $0xFFFFCE00;
	(pc) =	sbr.rel @p0 .LBB2_1-.Ltmp5, $4  }
0x14f: {  	[hbm4b:s6+s2] =	stream.linear.scatter [tilespmem:s0], [sflag:$0x3], $0x4000, $0x38;
	[tilespmem:$0xE800] =	vst v63  }
0x150: {  	_ =	swait.ge [sflag:s8], $0x4000  }
0x151: {  	[sflag:s8] =	ssyncset.done $0x0  }
0x152: {  	[sflag:s8] =	ssyncadd.s32 $0xFFFFC000  }
0x153: {  	_ =	sfence.sel $0x180000  }
0x154: {  	[bflag:$0x0] =	sbarrier.arrive $0xFFFF  }
0x155: {  	_ =	strace $0x9000004D  }
0x156: {  	s0 =	stileid.u32;
	[bflag:$0x2] =	sbarrier.arrive $0xFFFF  }
0x157: {  	p0 =	sne.s32 s0, $0x0;
	s0 =	rddreg [dreg:$0x1]  }
0x158: {  	s0 =	sadd.s32 @!p0 $0x100000, s0  }
0x159: {  	[sflag:s0] =	ssyncadd.tile.s32 @!p0 $0x1;
	_ =	shalt  }
.Lfunc_end2:
_tile_overlayer_lowered:
.L_overlay_start_2:
0x15a: {  	(tag) =	ssettag $0x2  }
0x15b: {  	s0 =	rddreg [dreg:$0x0];
	s2 =	stileid.u32  }
0x15c: {  	s1 =	rddreg [dreg:$0x1];
	p0 =	sne.s32 s2, $0x0  }
0x15d: {  	s3 =	rddreg [dreg:$0x2];
	[bflag:$0x3] =	sbarrier.arrive $0xFFFF;
	s2 =	simm.s32 @!p0 $0x1C03  }
0x15e: {  	[timem:s3], [sflag:s2] =	dma.local @!p0 [hbm:s0], s1  }
0x15f: {  	s0 =	simm.s32 @!p0 $0x3  }
0x160: {  	_ =	swait.ge @!p0 [sflag:s0], s1  }
0x161: {  	s1 =	ssub.s32 @!p0 $0x0, s1;
	[sflag:s0] =	ssyncset.done @!p0 $0x0  }
0x162: {  	[sflag:s0] =	ssyncadd.s32 @!p0 s1  }
0x163: {  	[bflag:$0x3] =	sbarrier.arrive $0xFFFF  }
0x164: {  	_ =	shalt  }

// kernel: sparse-core-data-format-call.1.cloned.1.call-start
scs
called_computation.1_lowered:
.L_overlay_start_0:
0x0: {  	s1 =	sld [smem:$0x3FD9]  }
0x1: {  	s2 =	sld [smem:$0x3FFE];
	_ =	sdelay $0x1  }
0x2: {  	s3 =	srdreg.scid  }
0x3: {  	s0 =	sand.u32 $0x1, s3  }
0x4: {  	s17 =	sshll.u32 s0, $0xA;
	s1 =	sadd.s32 s2, s1  }
0x5: {  	s1 =	sadd.s32 s1, s17  }
0x6: {  	[smem:$0x3FC2] =	sst s1  }
0x7: {  	_ = 	snop  }
0x8: {  	(tm) =	ssettm $0x1  }
0x9: {  	s18 =	sld [smem:$0x3FFB];
	_ =	sdelay $0x3  }
0xa: {  	_ =	strace s18  }
0xb: {  	s1 =	sld [smem:$0x3FFC];
	_ =	sdelay $0x3  }
0xc: {  	_ =	strace s1  }
0xd: {  	s1 =	sld [smem:$0x3FFD];
	_ =	sdelay $0x3  }
0xe: {  	_ =	strace s1  }
0xf: {  	_ =	strace $0x8FFFFFFF  }
0x10: {  	s19 =	sld [smem:$0x3FDB];
	_ =	sdelay $0x1  }
0x11: {  	s20 =	simm.s32 $_scs_section_size  }
0x12: {  	s4 =	simm.s32 $_size__tile_overlayer_lowered;
	s5 =	simm.s32 $_tile_overlayer_lowered  }
0x13: {  	s23 =	simm.s32 $0x1BFF;
	s22 =	sshll.u32 s5, $0x1;
	s1 =	sadd.s32 s20, s19  }
0x14: {  	s6 =	simm.s32 $0x0;
	s21 =	sshll.u32 s4, $0x1;
	s4 =	sadd.s32 s22, s1  }
0x15: {  	[timem:s6], [sflag:s23] =	dma.local [hbm:s4], s21  }
0x16: {  	_ =	swait.ge [sflag:s23], s21  }
0x17: {  	s2 =	ssub.s32 $0x0, s21;
	[sflag:s23] =	ssyncset.done $0x0  }
0x18: {  	[sflag:s23] =	ssyncadd.s32 s2;
	_ =	sdelay $0x1  }
0x19: {  	s24 =	simm.s32 $0x1B8B  }
0x1a: {  	_ =	swait.ge [sflag:s24], $0x1  }
0x1b: {  	[sflag:s24] =	ssyncset.done $0x0  }
0x1c: {  	s26 =	simm.s32 $0x1B8E;
	s25 =	sld [smem:$0x3FFE];
	[sflag:s24] =	ssyncadd.s32 $0xFFFFFFFF  }
0x1d: {  	s27 =	simm.s32 $execute0_lowered;
	[smem:$0x3FD2] =	sst s26  }
0x1e: {  	s4 =	sshll.u32 s27, $0x1;
	_ =	strace $0x80000046;
	[dreg:$0x1] =	wrdreg $0xFFFFFFFF  }
0x1f: {  	s28 =	simm.s32 $_size_execute0_lowered;
	s1 =	sadd.s32 s1, s4;
	[dreg:$0x0] =	wrdreg $0x0  }
0x20: {  	s4 =	sshll.u32 s28, $0x1;
	[dreg:$0x2] =	wrdreg s1  }
0x21: {  	[dreg:$0x3] =	wrdreg s4  }
0x22: {  	[dreg:$0x4] =	wrdreg $0xC0  }
0x23: {  	_ =	task [dreg:s6], $0x5FFFF  }
0x24: {  	[dreg:$0x1] =	wrdreg $0xFFFFFFFF  }
0x25: {  	[dreg:$0x0] =	wrdreg $0x60  }
0x26: {  	[dreg:$0x2] =	wrdreg s25  }
0x27: {  	[dreg:$0x3] =	wrdreg $0xA  }
0x28: {  	_ =	task.clear_ibuf [dreg:s6], $0x4FFFF;
	_ =	strace $0x90000046  }
0x29: {  	s29 =	simm.s32 $0xA;
	_ =	strace $0x80000048  }
0x2a: {  	_ =	swait.ge [sflag:s29], $0x1  }
0x2b: {  	[sflag:s29] =	ssyncadd.s32 $0xFFFFFFFF  }
0x2c: {  	_ =	strace $0x90000048  }
0x2d: {  	_ =	sfence  }
0x2e: {  	s30 =	sld [smem:$0x0];
	_ =	sdelay $0x2  }
0x2f: {  	s31 =	sshll.u32 s3, $0xD;
	s3 =	sshrl.u32 s3, $0x2  }
0x30: {  	s2 =	sand.u32 $0x4000, s31;
	s1 =	sadd.s32 s3, s30  }
0x31: {  	s0 =	sor.u32 s2, s0;
	s1 =	sshll.u32 s1, $0x11  }
0x32: {  	s0 =	sor.u32 s1, s0  }
0x33: {  	s0 =	sadd.s32 $0x8F2B, s0  }
0x34: {  	[sflag:s0] =	ssyncadd.remote.s32 $0x1  }
0x35: {  	_ =	sfence.sel $0xFFFF  }
0x36: {  	[dreg:$0x0] =	wrdreg $0xFFFFFFFF;
	(pc) =	sbr.abs _section_cstart, $3  }
0x37: {  	[dreg:$0x1] =	wrdreg $0xFFFFFFFF  }
0x38: {  	_ =	task.clear_ibuf [dreg:s6], $0x2FFFF;
	_ =	strace $0x9FFFFFFF  }
0x39: {  	(tm) =	ssettm $0x7FFFFFFF  }
tec
execute0_lowered:
.L_overlay_start_1:
0x0: {  	(tag) =	ssettag $0x1  }
0x1: {  	s0 =	srdreg.scid  }
0x2: {  	s5 =	rddreg [dreg:$0x0];
	s1 =	stileid.u32;
	s4 =	simm.s32 $0x1  }
0x3: {  	s6 =	simm.s32 $0x2;
	s15 =	simm.s32 $0x0;
	p0 =	por $0x0, $0x0  }
0x4: {  	s8 =	simm.s32 $0x80;
	s14 =	simm.s32 $0x0;
	s2 =	sshll.u32 s0, $0x4  }
0x5: {  	s9 =	simm.s32 $0x0;
	s10 =	simm.s32 $0x0;
	s2 =	sand.u32 $0x10, s2  }
.Ltmp0:
0x6: {  	s12 =	simm.s32 $0x0;
	s3 =	sor.u32 s1, s2;
	(pc) =	sbr.rel .LBB1_1-.Ltmp0, $4  }
0x7: {  	s0 =	rddreg [dreg:$0x1];
	_ =	strace $0x80000047;
	s3 =	sshll.u32 s3, $0x7  }
0x8: {  	s13 =	simm.s32 $0x0;
	[sflag:s4] =	ssyncpa.u1 $0x0;
	s7 =	ssub.s32 $0x7A100, s3  }
0x9: {  	s2 =	sadd.s32 $0x1A00, s5;
	[sflag:s6] =	ssyncpa.u1 $0x0;
	s6 =	sshrl.u32 s7, $0xC  }
0xa: {  	s5 =	sadd.s32 $0x3D2600, s5;
	s11 =	smov.u32 s3;
	s7 =	sadd.s32 $0x2, s6  }
.LBB1_5:
0xb: {  	p1 =	slt.u32 s13, $0x2  }
0xc: {  	s17 =	smov.u32 s15;
	p2 =	sgt.s32 @!p1 s15, $0x7A0A0;
	s16 =	sshra.s32 @!p1 s15, $0x1F  }
0xd: {  	p3 =	sgt.s32 @!p1 s14, $0x40;
	s18 =	sshra.s32 @!p1 s14, $0x1F;
	p2 =	por !p2, p1  }
0xe: {  	s15 =	sand.u32 @!p1 s16, s15;
	p3 =	por !p3, p1;
	s16 =	smov.u32 s14  }
0xf: {  	s14 =	sand.u32 @!p1 s18, s14;
	s17 =	simm.s32 @p2 $0x7A0A0;
	s16 =	simm.s32 @p3 $0x40  }
0x10: {  	s15 =	ssub.s32 @!p1 s17, s15;
	s14 =	ssub.s32 @!p1 s16, s14  }
0x11: {  	s18 =	smov.u32 s12;
	s16 =	sadd.s32 @!p1 $0xFFF85F60, s15;
	s17 =	sadd.s32 @!p1 $0xFFFFFFC0, s14  }
0x12: {  	s15 =	ssub.s32 @!p1 $0x7A120, s15;
	p2 =	sgt.s32 @!p1 s16, $0x7F;
	p3 =	sgt.s32 @!p1 s17, $0x3F  }
0x13: {  	s14 =	ssub.s32 @!p1 $0x80, s14;
	p2 =	por !p2, p1;
	p3 =	por !p3, p1  }
0x14: {  	s16 =	sadd.s32 $0x1000, s11;
	s15 =	simm.s32 @!p2 $0x0;
	s14 =	simm.s32 @!p3 $0x0  }
0x15: {  	p2 =	sgt.s32 s16, $0x7A11F;
	s14 =	smul.u32 @!p1 s14, s15;
	s15 =	sadd.s32 $0x40, s12  }
0x16: {  	s18 =	smov.u32 @p2 s15  }
0x17: {  	s16 =	smov.u32 @p2 s3;
	p2 =	sgt.s32 s18, $0x3F  }
0x18: {  	s18 =	simm.s32 @p2 $0x0;
	p2 =	sne.s32 s13, s7  }
.Ltmp1:
0x19: {  	p0 =	por !p0, !p0;
	s17 =	simm.s32 @!p1 $0x2;
	(pc) =	sbr.rel @!p2 .LBB1_6-.Ltmp1, $4  }
0x1a: {  	s15 =	smov.u32 s9;
	s9 =	smov.u32 s11;
	s14 =	sand.u32 @!p1 $0x3FFFFFFF, s14  }
0x1b: {  	s11 =	smov.u32 s16;
	_ =	swait.ge @!p1 [sflag:s17], s14;
	s19 =	ssub.s32 @!p1 $0x0, s14  }
0x1c: {  	s14 =	smov.u32 s10;
	s13 =	sadd.s32 $0x1, s13;
	[sflag:s17] =	ssyncset.done @!p1 $0x0  }
0x1d: {  	s10 =	smov.u32 s12;
	s12 =	smov.u32 s18;
	[sflag:s17] =	ssyncadd.s32 @!p1 s19  }
.LBB1_1:
0x1e: {  	p1 =	sgt.u32 s13, s6  }
0x1f: {  	s16 =	sshrl.u32 @!p1 s12, $0x3  }
0x20: {  	s17 =	sshll.u32 @!p1 s11, $0x3;
	s16 =	smul.u32 @!p1 $0x3D0C00, s16  }
0x21: {  	s18 =	sshll.u32 @!p1 s12, $0x7;
	s17 =	sand.u32 @!p1 $0xFFFFFC00, s17  }
0x22: {  	s16 =	sadd.s32 @!p1 s16, s17;
	s17 =	sand.u32 @!p1 $0x380, s18  }
0x23: {  	s16 =	sor.u32 @!p1 s17, s16  }
0x24: {  	s17 =	sshrl.u32 @!p1 s16, $0x7  }
0x25: {  	s17 =	smulhi.u32 @!p1 $0x10C6249, s17;
	_ =	sdelay $0x1  }
0x26: {  	s17 =	sshrl.u32 @!p1 s17, $0x4  }
0x27: {  	s18 =	sand.u32 @!p1 $0x7F, s11;
	s19 =	smul.u32 @!p1 $0x7A180, s17  }
0x28: {  	s16 =	sor.u32 @!p1 s18, s16;
	s18 =	sxor.u32 @!p1 $0xFFFFFFFF, s13  }
0x29: {  	s18 =	sshll.u32 @!p1 s18, $0xD;
	s17 =	sand.u32 @!p1 $0x3F, s17;
	s16 =	ssub.s32 @!p1 s16, s19  }
0x2a: {  	s17 =	smul.u32 @!p1 $0xF430, s17;
	s19 =	sshrl.u32 @!p1 s16, $0x3;
	s16 =	sand.u32 @!p1 $0x7, s16  }
0x2b: {  	s18 =	sand.u32 @!p1 $0x2000, s18;
	s19 =	sadd.s32 @!p1 s2, s19;
	s16 =	sshll.u32 @!p1 s16, $0x12  }
0x2c: {  	s17 =	sadd.s32 @!p1 s17, s19;
	s16 =	sor.u32 @!p1 $0x400, s16;
	s19 =	simm.s32 @!p1 $0x3D0C00  }
0x2d: {  	[tilespmem:s18], [sflag:$0x1] =	stream.strided.gather @!p1 [hbm4b:s17+s16], $0x2000, s19, s16, $0x38;
	[tilespmem:$0x8100] =	vst v63  }
0x2e: {  	p1 =	seq.s32 s13, $0x0  }
0x2f: {  	p2 =	sge.u32 @!p1 s13, s7  }
0x30: {  	p1 =	por p1, p2  }
.Ltmp2:
0x31: {  	_ = 	snop;
	(pc) =	sbr.rel @p1 .LBB1_5-.Ltmp2, $1  }
0x32: {  	_ =	sdelay $0x3  }
0x33: {  	s16 =	simm.s32 $0x1  }
0x34: {  	_ =	swait.ge [sflag:s4], $0x2000;
	s16 =	simm.s32 @!p0 $0x0  }
0x35: {  	[sflag:s4] =	ssyncset.done $0x0;
	s17 =	sshll.u32 s16, $0xD  }
0x36: {  	[sflag:s4] =	ssyncadd.s32 $0xFFFFE000;
	s17 =	sor.u32 $0x40, s17  }
0x37: {  	s16 =	smul.u32 $0x8200, s16;
	v0 =	vld [tilespmem:s17+$0x30]  }
0x38: {  	v1 =	vld [tilespmem:s17+$0xFFFFFFD0]  }
0x39: {  	s16 =	sshrl.u32 s16, $0x2;
	v5 =	vld [tilespmem:s17+$0xFFFFFFE0]  }
0x3a: {  	v6 =	vld [tilespmem:s17+$0xFFFFFFF0];
	s19 =	sor.u32 $0x4000, s16  }
0x3b: {  	s31 =	sand.u32 $0x1, s13;
	v4 =	vld [tilespmem:s17+$0x0];
	s18 =	sadd.s32 $0x0, s19  }
0x3c: {  	v3 =	vld [tilespmem:s17+$0x10];
	s16 =	smul.u32 $0x8200, s31;
	[tilespmem:s18+$0x1C70 ss:$0x41] =	vst.msk $0xffff, v0  }
0x3d: {  	v2 =	vld [tilespmem:s17+$0x20];
	[tilespmem:s18+$0x410 ss:$0x41] =	vst.msk $0xffff, v1  }
0x3e: {  	s16 =	sshrl.u32 s16, $0x2;
	v1 =	vld [tilespmem:s17+$0xFFFFFFC0];
	[tilespmem:s18+$0x820 ss:$0x41] =	vst.msk $0xffff, v5;
	s17 =	sadd.s32 $0x80, s17  }
0x3f: {  	s20 =	simm.s32 $0x4;
	s21 =	simm.s32 $0x8;
	s16 =	sor.u32 $0x4000, s16;
	[tilespmem:s18+$0xC30 ss:$0x41] =	vst.msk $0xffff, v6;
	v0 =	vld [tilespmem:s17+$0x30]  }
.LBB1_3:
0x40: {  	p1 =	sne.s32 s21, $0xFC;
	v5 =	vld [tilespmem:s17+$0xFFFFFFD0];
	[tilespmem:s18+$0x1040 ss:$0x41] =	vst.msk $0xffff, v4  }
0x41: {  	v6 =	vld [tilespmem:s17+$0xFFFFFFE0];
	[tilespmem:s18+$0x1450 ss:$0x41] =	vst.msk $0xffff, v3  }
0x42: {  	s22 =	sshra.s32 s20, $0x2;
	s20 =	smov.u32 s21;
	v7 =	vld [tilespmem:s17+$0xFFFFFFF0];
	[tilespmem:s18+$0x1860 ss:$0x41] =	vst.msk $0xffff, v2  }
.Ltmp3:
0x43: {  	v4 =	vld [tilespmem:s17+$0x0];
	[tilespmem:s18+$0x0 ss:$0x41] =	vst.msk $0xffff, v1;
	s18 =	sadd.s32 s22, s19;
	(pc) =	sbr.rel @p1 .LBB1_3-.Ltmp3, $4  }
0x44: {  	v3 =	vld [tilespmem:s17+$0x10];
	[tilespmem:s18+$0x1C70 ss:$0x41] =	vst.msk $0xffff, v0  }
0x45: {  	[tilespmem:s18+$0x410 ss:$0x41] =	vst.msk $0xffff, v5;
	v2 =	vld [tilespmem:s17+$0x20]  }
0x46: {  	v1 =	vld [tilespmem:s17+$0xFFFFFFC0];
	[tilespmem:s18+$0x820 ss:$0x41] =	vst.msk $0xffff, v6;
	s17 =	sadd.s32 $0x80, s17  }
0x47: {  	s21 =	sadd.s32 $0x4, s21;
	v0 =	vld [tilespmem:s17+$0x30];
	[tilespmem:s18+$0xC30 ss:$0x41] =	vst.msk $0xffff, v7  }
0x48: {  	s21 =	sshll.u32 s9, $0x7;
	s22 =	sshll.u32 s10, $0x3;
	s20 =	sshra.s32 s20, $0x2  }
0x49: {  	p1 =	sgt.s32 s9, $0x7A0A0;
	s30 =	sshra.s32 s9, $0x1F;
	s25 =	sshra.s32 s10, $0x1F  }
0x4a: {  	v5 =	vld [tilespmem:s17+$0xFFFFFFD0];
	s28 =	sshrl.u32 s10, $0x3;
	s23 =	sand.u32 $0xFFFFFC00, s21;
	s22 =	sand.u32 $0xFFFFFC00, s22  }
0x4b: {  	[tilespmem:s18+$0x1040 ss:$0x41] =	vst.msk $0xffff, v4;
	v58 =	vld [tilespmem:s17+$0xFFFFFFE0];
	s21 =	sand.u32 $0x380, s21;
	s19 =	sadd.s32 s20, s19;
	s22 =	sadd.s32 s22, s23  }
0x4c: {  	v59 =	vld [tilespmem:s17+$0xFFFFFFF0];
	[tilespmem:s18+$0x1450 ss:$0x41] =	vst.msk $0xffff, v3;
	s29 =	sor.u32 s21, s22;
	s21 =	smov.u32 s9;
	s22 =	sand.u32 s30, s9  }
0x4d: {  	v60 =	vld [tilespmem:s17+$0x0];
	[tilespmem:s18+$0x1860 ss:$0x41] =	vst.msk $0xffff, v2;
	s30 =	sand.u32 $0x7, s10;
	s20 =	sshrl.u32 s29, $0x7;
	s21 =	simm.s32 @!p1 $0x7A0A0  }
0x4e: {  	v61 =	vld [tilespmem:s17+$0x10];
	[tilespmem:s18+$0x0 ss:$0x41] =	vst.msk $0xffff, v1;
	p1 =	sgt.s32 s10, $0x40;
	s24 =	ssub.s32 s21, s22;
	s21 =	smov.u32 s10  }
0x4f: {  	v62 =	vld [tilespmem:s17+$0x20];
	[tilespmem:s19+$0x1C70 ss:$0x41] =	vst.msk $0xffff, v0;
	s31 =	smulhi.u32 $0x218DEF5, s20;
	s22 =	sand.u32 s25, s10;
	s21 =	simm.s32 @!p1 $0x40  }
0x50: {  	v63 =	vld [tilespmem:s17+$0xFFFFFFC0];
	[tilespmem:s19+$0x410 ss:$0x41] =	vst.msk $0xffff, v5;
	s26 =	sadd.s32 $0xFFF85F60, s24;
	s17 =	ssub.s32 $0x7A120, s24;
	s21 =	ssub.s32 s21, s22  }
0x51: {  	[tilespmem:s19+$0x820 ss:$0x41] =	vst.msk $0xffff, v58;
	s23 =	sshrl.u32 s31, $0xC;
	p1 =	sgt.s32 s26, $0x7F;
	s27 =	sadd.s32 $0xFFFFFFC0, s21  }
0x52: {  	[tilespmem:s19+$0xC30 ss:$0x41] =	vst.msk $0xffff, v59;
	s23 =	smul.u32 $0x7A120, s23;
	s18 =	ssub.s32 $0x80, s21;
	p2 =	sgt.s32 s27, $0x3F  }
.Ltmp4:
0x53: {  	[tilespmem:s19+$0x1040 ss:$0x41] =	vst.msk $0xffff, v60;
	s17 =	simm.s32 @p1 $0x0;
	s18 =	simm.s32 @p2 $0x0;
	(pc) =	sbr.rel .LBB1_5-.Ltmp4, $4  }
0x54: {  	s29 =	sand.u32 $0xF, s28;
	[tilespmem:s19+$0x1450 ss:$0x41] =	vst.msk $0xffff, v61;
	s20 =	ssub.s32 s20, s23;
	s17 =	smul.u32 s18, s17  }
0x55: {  	[tilespmem:s19+$0x1860 ss:$0x41] =	vst.msk $0xffff, v62;
	s21 =	sshll.u32 s30, $0x12;
	s20 =	sshll.u32 s20, $0x4;
	s18 =	sadd.s32 s5, s29  }
0x56: {  	[tilespmem:s19+$0x0 ss:$0x41] =	vst.msk $0xffff, v63;
	s31 =	sor.u32 $0x40, s21;
	s18 =	sadd.s32 s20, s18;
	s17 =	sand.u32 $0x3FFFFFFF, s17  }
0x57: {  	[hbm4b:s18+s31] =	stream.strided.scatter [tilespmem:s16], [sflag:$0x2], s17, s8, s31, $0x18;
	[tilespmem:$0x8100] =	vst v63  }
.LBB1_6:
0x58: {  	_ =	sfence.sel $0x180000  }
0x59: {  	s2 =	simm.s32 $0x1;
	[bflag:$0x0] =	sbarrier.arrive $0xFFFF  }
0x5a: {  	s31 =	simm.s32 $0x2;
	[sflag:s2] =	ssyncpa.u1 $0x1  }
0x5b: {  	[sflag:s31] =	ssyncpa.u1 $0x1  }
0x5c: {  	p0 =	sne.s32 s1, $0x0;
	_ =	strace $0x90000047  }
0x5d: {  	s0 =	sadd.s32 @!p0 $0x100000, s0;
	[bflag:$0x2] =	sbarrier.arrive $0xFFFF  }
0x5e: {  	[sflag:s0] =	ssyncadd.tile.s32 @!p0 $0x1;
	_ =	shalt  }
.Lfunc_end1:
_tile_overlayer_lowered:
.L_overlay_start_2:
0x5f: {  	(tag) =	ssettag $0x2  }
0x60: {  	s0 =	rddreg [dreg:$0x0];
	s2 =	stileid.u32  }
0x61: {  	s1 =	rddreg [dreg:$0x1];
	p0 =	sne.s32 s2, $0x0  }
0x62: {  	s3 =	rddreg [dreg:$0x2];
	[bflag:$0x3] =	sbarrier.arrive $0xFFFF;
	s2 =	simm.s32 @!p0 $0x1C01  }
0x63: {  	[timem:s3], [sflag:s2] =	dma.local @!p0 [hbm:s0], s1  }
0x64: {  	s0 =	simm.s32 @!p0 $0x1  }
0x65: {  	_ =	swait.ge @!p0 [sflag:s0], s1  }
0x66: {  	s1 =	ssub.s32 @!p0 $0x0, s1;
	[sflag:s0] =	ssyncset.done @!p0 $0x0  }
0x67: {  	[sflag:s0] =	ssyncadd.s32 @!p0 s1  }
0x68: {  	[bflag:$0x3] =	sbarrier.arrive $0xFFFF  }
0x69: {  	_ =	shalt  }

// kernel: sparse-core-data-format-call.cloned.1.call-start
scs
called_computation_lowered:
.L_overlay_start_0:
0x0: {  	s2 =	sld [smem:$0x3FD9]  }
0x1: {  	s3 =	sld [smem:$0x3FFE];
	_ =	sdelay $0x1  }
0x2: {  	s1 =	srdreg.scid  }
0x3: {  	s0 =	sand.u32 $0x1, s1  }
0x4: {  	s18 =	sshll.u32 s0, $0xA;
	s2 =	sadd.s32 s3, s2  }
0x5: {  	s2 =	sadd.s32 s2, s18  }
0x6: {  	[smem:$0x3FC2] =	sst s2  }
0x7: {  	_ = 	snop  }
0x8: {  	(tm) =	ssettm $0x1  }
0x9: {  	s19 =	sld [smem:$0x3FFB];
	_ =	sdelay $0x3  }
0xa: {  	_ =	strace s19  }
0xb: {  	s2 =	sld [smem:$0x3FFC];
	_ =	sdelay $0x3  }
0xc: {  	_ =	strace s2  }
0xd: {  	s2 =	sld [smem:$0x3FFD];
	_ =	sdelay $0x3  }
0xe: {  	_ =	strace s2  }
0xf: {  	_ =	strace $0x8FFFFFFF  }
0x10: {  	s20 =	sld [smem:$0x3FDB];
	_ =	sdelay $0x1  }
0x11: {  	s21 =	simm.s32 $_scs_section_size  }
0x12: {  	s4 =	simm.s32 $_size__tile_overlayer_lowered;
	s5 =	simm.s32 $_tile_overlayer_lowered  }
0x13: {  	s6 =	simm.s32 $0x1BFF;
	s22 =	sshll.u32 s5, $0x1;
	s3 =	sadd.s32 s21, s20  }
0x14: {  	s23 =	simm.s32 $0x0;
	s4 =	sshll.u32 s4, $0x1;
	s5 =	sadd.s32 s22, s3  }
0x15: {  	[timem:s23], [sflag:s6] =	dma.local [hbm:s5], s4  }
0x16: {  	_ =	swait.ge [sflag:s6], s4  }
0x17: {  	s4 =	ssub.s32 $0x0, s4;
	[sflag:s6] =	ssyncset.done $0x0  }
0x18: {  	[sflag:s6] =	ssyncadd.s32 s4;
	_ =	sdelay $0x1  }
0x19: {  	s24 =	simm.s32 $0x1B8B  }
0x1a: {  	_ =	swait.ge [sflag:s24], $0x1  }
0x1b: {  	[sflag:s24] =	ssyncset.done $0x0  }
0x1c: {  	[sflag:s24] =	ssyncadd.s32 $0xFFFFFFFF  }
0x1d: {  	s4 =	sld [smem:$0x0]  }
0x1e: {  	s5 =	sand.u32 $0xFFFFFFFE, s1  }
0x1f: {  	p0 =	sne.s32 s1, s5  }
0x20: {  	s5 =	sshll.u32 @p0 s5, $0xE  }
0x21: {  	s5 =	sadd.s32 @p0 $0x11B8D, s5;
	s6 =	sshll.u32 @p0 s4, $0x11  }
0x22: {  	s5 =	sor.u32 @p0 s6, s5  }
0x23: {  	[sflag:s5] =	ssyncadd.remote.s32 @p0 $0x1;
	_ =	sdelay $0x1  }
0x24: {  	s5 =	simm.s32 @p0 $0x1B8D  }
0x25: {  	_ =	swait.eq @p0 [sflag:s5], $0x1  }
0x26: {  	[sflag:s5] =	ssyncadd.s32 @p0 $0xFFFFFFFF  }
0x27: {  	s6 =	sshll.u32 @!p0 s1, $0xE  }
0x28: {  	s6 =	sor.u32 @!p0 $0x4000, s6;
	s5 =	simm.s32 @!p0 $0x1B8D  }
0x29: {  	s4 =	sshll.u32 @!p0 s4, $0x11;
	s6 =	sadd.s32 @!p0 $0x11B8D, s6;
	_ =	swait.eq @!p0 [sflag:s5], $0x1  }
0x2a: {  	s4 =	sor.u32 @!p0 s4, s6;
	[sflag:s5] =	ssyncadd.s32 @!p0 $0xFFFFFFFF  }
0x2b: {  	s26 =	simm.s32 $0x1B8E;
	s25 =	sld [smem:$0x3FFE];
	[sflag:s4] =	ssyncadd.remote.s32 @!p0 $0x1  }
0x2c: {  	s27 =	simm.s32 $execute0_lowered;
	[smem:$0x3FD2] =	sst s26  }
0x2d: {  	s5 =	sshll.u32 s27, $0x1;
	_ =	strace $0x80000049;
	[dreg:$0x1] =	wrdreg $0xFFFFFFFF  }
0x2e: {  	s28 =	simm.s32 $_size_execute0_lowered;
	s3 =	sadd.s32 s3, s5;
	[dreg:$0x0] =	wrdreg $0x0  }
0x2f: {  	s5 =	sshll.u32 s28, $0x1;
	[dreg:$0x2] =	wrdreg s3  }
0x30: {  	[dreg:$0x3] =	wrdreg s5  }
0x31: {  	[dreg:$0x4] =	wrdreg $0xC0  }
0x32: {  	_ =	task [dreg:s23], $0x5FFFF  }
0x33: {  	[dreg:$0x1] =	wrdreg $0xFFFFFFFF  }
0x34: {  	[dreg:$0x0] =	wrdreg $0x60  }
0x35: {  	[dreg:$0x2] =	wrdreg s25  }
0x36: {  	[dreg:$0x3] =	wrdreg $0x9  }
0x37: {  	_ =	task.clear_ibuf [dreg:s23], $0x4FFFF;
	_ =	strace $0x90000049  }
0x38: {  	s29 =	simm.s32 $0x9;
	_ =	strace $0x8000004B  }
0x39: {  	_ =	swait.ge [sflag:s29], $0x1  }
0x3a: {  	[sflag:s29] =	ssyncadd.s32 $0xFFFFFFFF  }
0x3b: {  	_ =	strace $0x9000004B  }
0x3c: {  	_ =	sfence  }
0x3d: {  	s30 =	sld [smem:$0x0];
	_ =	sdelay $0x2  }
0x3e: {  	s31 =	sshll.u32 s1, $0xD;
	s1 =	sshrl.u32 s1, $0x2  }
0x3f: {  	s4 =	sand.u32 $0x4000, s31;
	s1 =	sadd.s32 s1, s30  }
0x40: {  	s0 =	sor.u32 s4, s0;
	s1 =	sshll.u32 s1, $0x11  }
0x41: {  	s0 =	sor.u32 s1, s0  }
0x42: {  	s0 =	sadd.s32 $0x8F2B, s0  }
0x43: {  	[sflag:s0] =	ssyncadd.remote.s32 $0x1  }
0x44: {  	_ =	sfence.sel $0xFFFF  }
0x45: {  	[dreg:$0x0] =	wrdreg $0xFFFFFFFF;
	(pc) =	sbr.abs _section_cstart, $3  }
0x46: {  	[dreg:$0x1] =	wrdreg $0xFFFFFFFF  }
0x47: {  	_ =	task.clear_ibuf [dreg:s23], $0x2FFFF;
	_ =	strace $0x9FFFFFFF  }
0x48: {  	(tm) =	ssettm $0x7FFFFFFF  }
0x49: {  	_ =	shalt  }
tec
execute0_lowered:
.L_overlay_start_1:
0x0: {  	(tag) =	ssettag $0x1  }
0x1: {  	s0 =	srdreg.scid  }
0x2: {  	s5 =	rddreg [dreg:$0x0];
	s1 =	stileid.u32;
	s4 =	simm.s32 $0x1  }
0x3: {  	s6 =	simm.s32 $0x2;
	s15 =	simm.s32 $0x0;
	p0 =	por $0x0, $0x0  }
0x4: {  	s8 =	simm.s32 $0x80;
	s14 =	simm.s32 $0x0;
	s2 =	sshll.u32 s0, $0x4  }
0x5: {  	s9 =	simm.s32 $0x0;
	s10 =	simm.s32 $0x0;
	s2 =	sand.u32 $0x10, s2  }
.Ltmp0:
0x6: {  	s12 =	simm.s32 $0x0;
	s3 =	sor.u32 s1, s2;
	(pc) =	sbr.rel .LBB1_1-.Ltmp0, $4  }
0x7: {  	s0 =	rddreg [dreg:$0x1];
	_ =	strace $0x8000004A;
	s3 =	sshll.u32 s3, $0x7  }
0x8: {  	s13 =	simm.s32 $0x0;
	[sflag:s4] =	ssyncpa.u1 $0x0;
	s7 =	ssub.s32 $0x7A100, s3  }
0x9: {  	s2 =	sadd.s32 $0xB73800, s5;
	[sflag:s6] =	ssyncpa.u1 $0x0;
	s6 =	sshrl.u32 s7, $0xC  }
0xa: {  	s5 =	sadd.s32 $0xF44400, s5;
	s11 =	smov.u32 s3;
	s7 =	sadd.s32 $0x2, s6  }
.LBB1_5:
0xb: {  	p1 =	slt.u32 s13, $0x2  }
0xc: {  	s17 =	smov.u32 s15;
	p2 =	sgt.s32 @!p1 s15, $0x7A0A0;
	s16 =	sshra.s32 @!p1 s15, $0x1F  }
0xd: {  	p3 =	sgt.s32 @!p1 s14, $0x40;
	s18 =	sshra.s32 @!p1 s14, $0x1F;
	p2 =	por !p2, p1  }
0xe: {  	s15 =	sand.u32 @!p1 s16, s15;
	p3 =	por !p3, p1;
	s16 =	smov.u32 s14  }
0xf: {  	s14 =	sand.u32 @!p1 s18, s14;
	s17 =	simm.s32 @p2 $0x7A0A0;
	s16 =	simm.s32 @p3 $0x40  }
0x10: {  	s15 =	ssub.s32 @!p1 s17, s15;
	s14 =	ssub.s32 @!p1 s16, s14  }
0x11: {  	s18 =	smov.u32 s12;
	s16 =	sadd.s32 @!p1 $0xFFF85F60, s15;
	s17 =	sadd.s32 @!p1 $0xFFFFFFC0, s14  }
0x12: {  	s15 =	ssub.s32 @!p1 $0x7A120, s15;
	p2 =	sgt.s32 @!p1 s16, $0x7F;
	p3 =	sgt.s32 @!p1 s17, $0x3F  }
0x13: {  	s14 =	ssub.s32 @!p1 $0x80, s14;
	p2 =	por !p2, p1;
	p3 =	por !p3, p1  }
0x14: {  	s16 =	sadd.s32 $0x1000, s11;
	s15 =	simm.s32 @!p2 $0x0;
	s14 =	simm.s32 @!p3 $0x0  }
0x15: {  	p2 =	sgt.s32 s16, $0x7A11F;
	s14 =	smul.u32 @!p1 s14, s15;
	s15 =	sadd.s32 $0x40, s12  }
0x16: {  	s18 =	smov.u32 @p2 s15  }
0x17: {  	s16 =	smov.u32 @p2 s3;
	p2 =	sgt.s32 s18, $0x3F  }
0x18: {  	s18 =	simm.s32 @p2 $0x0;
	p2 =	sne.s32 s13, s7  }
.Ltmp1:
0x19: {  	p0 =	por !p0, !p0;
	s17 =	simm.s32 @!p1 $0x2;
	(pc) =	sbr.rel @!p2 .LBB1_6-.Ltmp1, $4  }
0x1a: {  	s15 =	smov.u32 s9;
	s9 =	smov.u32 s11;
	s14 =	sand.u32 @!p1 $0x3FFFFFFF, s14  }
0x1b: {  	s11 =	smov.u32 s16;
	_ =	swait.ge @!p1 [sflag:s17], s14;
	s19 =	ssub.s32 @!p1 $0x0, s14  }
0x1c: {  	s14 =	smov.u32 s10;
	s13 =	sadd.s32 $0x1, s13;
	[sflag:s17] =	ssyncset.done @!p1 $0x0  }
0x1d: {  	s10 =	smov.u32 s12;
	s12 =	smov.u32 s18;
	[sflag:s17] =	ssyncadd.s32 @!p1 s19  }
.LBB1_1:
0x1e: {  	p1 =	sgt.u32 s13, s6  }
0x1f: {  	s16 =	sshrl.u32 @!p1 s12, $0x3  }
0x20: {  	s17 =	sshll.u32 @!p1 s11, $0x3;
	s16 =	smul.u32 @!p1 $0x3D0C00, s16  }
0x21: {  	s18 =	sshll.u32 @!p1 s12, $0x7;
	s17 =	sand.u32 @!p1 $0xFFFFFC00, s17  }
0x22: {  	s16 =	sadd.s32 @!p1 s16, s17;
	s17 =	sand.u32 @!p1 $0x380, s18  }
0x23: {  	s16 =	sor.u32 @!p1 s17, s16  }
0x24: {  	s17 =	sshrl.u32 @!p1 s16, $0x7  }
0x25: {  	s17 =	smulhi.u32 @!p1 $0x10C6249, s17;
	_ =	sdelay $0x1  }
0x26: {  	s17 =	sshrl.u32 @!p1 s17, $0x4  }
0x27: {  	s18 =	sand.u32 @!p1 $0x7F, s11;
	s19 =	smul.u32 @!p1 $0x7A180, s17  }
0x28: {  	s16 =	sor.u32 @!p1 s18, s16;
	s18 =	sxor.u32 @!p1 $0xFFFFFFFF, s13  }
0x29: {  	s18 =	sshll.u32 @!p1 s18, $0xD;
	s17 =	sand.u32 @!p1 $0x3F, s17;
	s16 =	ssub.s32 @!p1 s16, s19  }
0x2a: {  	s17 =	smul.u32 @!p1 $0xF430, s17;
	s19 =	sshrl.u32 @!p1 s16, $0x3;
	s16 =	sand.u32 @!p1 $0x7, s16  }
0x2b: {  	s18 =	sand.u32 @!p1 $0x2000, s18;
	s19 =	sadd.s32 @!p1 s2, s19;
	s16 =	sshll.u32 @!p1 s16, $0x12  }
0x2c: {  	s17 =	sadd.s32 @!p1 s17, s19;
	s16 =	sor.u32 @!p1 $0x400, s16;
	s19 =	simm.s32 @!p1 $0x3D0C00  }
0x2d: {  	[tilespmem:s18], [sflag:$0x1] =	stream.strided.gather @!p1 [hbm4b:s17+s16], $0x2000, s19, s16, $0x38;
	[tilespmem:$0x8100] =	vst v63  }
0x2e: {  	p1 =	seq.s32 s13, $0x0  }
0x2f: {  	p2 =	sge.u32 @!p1 s13, s7  }
0x30: {  	p1 =	por p1, p2  }
.Ltmp2:
0x31: {  	_ = 	snop;
	(pc) =	sbr.rel @p1 .LBB1_5-.Ltmp2, $1  }
0x32: {  	_ =	sdelay $0x3  }
0x33: {  	s16 =	simm.s32 $0x1  }
0x34: {  	_ =	swait.ge [sflag:s4], $0x2000;
	s16 =	simm.s32 @!p0 $0x0  }
0x35: {  	[sflag:s4] =	ssyncset.done $0x0;
	s17 =	sshll.u32 s16, $0xD  }
0x36: {  	[sflag:s4] =	ssyncadd.s32 $0xFFFFE000;
	s17 =	sor.u32 $0x40, s17  }
0x37: {  	s16 =	smul.u32 $0x8200, s16;
	v0 =	vld [tilespmem:s17+$0x30]  }
0x38: {  	v1 =	vld [tilespmem:s17+$0xFFFFFFD0]  }
0x39: {  	s16 =	sshrl.u32 s16, $0x2;
	v5 =	vld [tilespmem:s17+$0xFFFFFFE0]  }
0x3a: {  	v6 =	vld [tilespmem:s17+$0xFFFFFFF0];
	s19 =	sor.u32 $0x4000, s16  }
0x3b: {  	s31 =	sand.u32 $0x1, s13;
	v4 =	vld [tilespmem:s17+$0x0];
	s18 =	sadd.s32 $0x0, s19  }
0x3c: {  	v3 =	vld [tilespmem:s17+$0x10];
	s16 =	smul.u32 $0x8200, s31;
	[tilespmem:s18+$0x1C70 ss:$0x41] =	vst.msk $0xffff, v0  }
0x3d: {  	v2 =	vld [tilespmem:s17+$0x20];
	[tilespmem:s18+$0x410 ss:$0x41] =	vst.msk $0xffff, v1  }
0x3e: {  	s16 =	sshrl.u32 s16, $0x2;
	v1 =	vld [tilespmem:s17+$0xFFFFFFC0];
	[tilespmem:s18+$0x820 ss:$0x41] =	vst.msk $0xffff, v5;
	s17 =	sadd.s32 $0x80, s17  }
0x3f: {  	s20 =	simm.s32 $0x4;
	s21 =	simm.s32 $0x8;
	s16 =	sor.u32 $0x4000, s16;
	[tilespmem:s18+$0xC30 ss:$0x41] =	vst.msk $0xffff, v6;
	v0 =	vld [tilespmem:s17+$0x30]  }
.LBB1_3:
0x40: {  	p1 =	sne.s32 s21, $0xFC;
	v5 =	vld [tilespmem:s17+$0xFFFFFFD0];
	[tilespmem:s18+$0x1040 ss:$0x41] =	vst.msk $0xffff, v4  }
0x41: {  	v6 =	vld [tilespmem:s17+$0xFFFFFFE0];
	[tilespmem:s18+$0x1450 ss:$0x41] =	vst.msk $0xffff, v3  }
0x42: {  	s22 =	sshra.s32 s20, $0x2;
	s20 =	smov.u32 s21;
	v7 =	vld [tilespmem:s17+$0xFFFFFFF0];
	[tilespmem:s18+$0x1860 ss:$0x41] =	vst.msk $0xffff, v2  }
.Ltmp3:
0x43: {  	v4 =	vld [tilespmem:s17+$0x0];
	[tilespmem:s18+$0x0 ss:$0x41] =	vst.msk $0xffff, v1;
	s18 =	sadd.s32 s22, s19;
	(pc) =	sbr.rel @p1 .LBB1_3-.Ltmp3, $4  }
0x44: {  	v3 =	vld [tilespmem:s17+$0x10];
	[tilespmem:s18+$0x1C70 ss:$0x41] =	vst.msk $0xffff, v0  }
0x45: {  	[tilespmem:s18+$0x410 ss:$0x41] =	vst.msk $0xffff, v5;
	v2 =	vld [tilespmem:s17+$0x20]  }
0x46: {  	v1 =	vld [tilespmem:s17+$0xFFFFFFC0];
	[tilespmem:s18+$0x820 ss:$0x41] =	vst.msk $0xffff, v6;
	s17 =	sadd.s32 $0x80, s17  }
0x47: {  	s21 =	sadd.s32 $0x4, s21;
	v0 =	vld [tilespmem:s17+$0x30];
	[tilespmem:s18+$0xC30 ss:$0x41] =	vst.msk $0xffff, v7  }
0x48: {  	s21 =	sshll.u32 s9, $0x7;
	s22 =	sshll.u32 s10, $0x3;
	s20 =	sshra.s32 s20, $0x2  }
0x49: {  	p1 =	sgt.s32 s9, $0x7A0A0;
	s30 =	sshra.s32 s9, $0x1F;
	s25 =	sshra.s32 s10, $0x1F  }
0x4a: {  	v5 =	vld [tilespmem:s17+$0xFFFFFFD0];
	s28 =	sshrl.u32 s10, $0x3;
	s23 =	sand.u32 $0xFFFFFC00, s21;
	s22 =	sand.u32 $0xFFFFFC00, s22  }
0x4b: {  	[tilespmem:s18+$0x1040 ss:$0x41] =	vst.msk $0xffff, v4;
	v58 =	vld [tilespmem:s17+$0xFFFFFFE0];
	s21 =	sand.u32 $0x380, s21;
	s19 =	sadd.s32 s20, s19;
	s22 =	sadd.s32 s22, s23  }
0x4c: {  	v59 =	vld [tilespmem:s17+$0xFFFFFFF0];
	[tilespmem:s18+$0x1450 ss:$0x41] =	vst.msk $0xffff, v3;
	s29 =	sor.u32 s21, s22;
	s21 =	smov.u32 s9;
	s22 =	sand.u32 s30, s9  }
0x4d: {  	v60 =	vld [tilespmem:s17+$0x0];
	[tilespmem:s18+$0x1860 ss:$0x41] =	vst.msk $0xffff, v2;
	s30 =	sand.u32 $0x7, s10;
	s20 =	sshrl.u32 s29, $0x7;
	s21 =	simm.s32 @!p1 $0x7A0A0  }
0x4e: {  	v61 =	vld [tilespmem:s17+$0x10];
	[tilespmem:s18+$0x0 ss:$0x41] =	vst.msk $0xffff, v1;
	p1 =	sgt.s32 s10, $0x40;
	s24 =	ssub.s32 s21, s22;
	s21 =	smov.u32 s10  }
0x4f: {  	v62 =	vld [tilespmem:s17+$0x20];
	[tilespmem:s19+$0x1C70 ss:$0x41] =	vst.msk $0xffff, v0;
	s31 =	smulhi.u32 $0x218DEF5, s20;
	s22 =	sand.u32 s25, s10;
	s21 =	simm.s32 @!p1 $0x40  }
0x50: {  	v63 =	vld [tilespmem:s17+$0xFFFFFFC0];
	[tilespmem:s19+$0x410 ss:$0x41] =	vst.msk $0xffff, v5;
	s26 =	sadd.s32 $0xFFF85F60, s24;
	s17 =	ssub.s32 $0x7A120, s24;
	s21 =	ssub.s32 s21, s22  }
0x51: {  	[tilespmem:s19+$0x820 ss:$0x41] =	vst.msk $0xffff, v58;
	s23 =	sshrl.u32 s31, $0xC;
	p1 =	sgt.s32 s26, $0x7F;
	s27 =	sadd.s32 $0xFFFFFFC0, s21  }
0x52: {  	[tilespmem:s19+$0xC30 ss:$0x41] =	vst.msk $0xffff, v59;
	s23 =	smul.u32 $0x7A120, s23;
	s18 =	ssub.s32 $0x80, s21;
	p2 =	sgt.s32 s27, $0x3F  }
.Ltmp4:
0x53: {  	[tilespmem:s19+$0x1040 ss:$0x41] =	vst.msk $0xffff, v60;
	s17 =	simm.s32 @p1 $0x0;
	s18 =	simm.s32 @p2 $0x0;
	(pc) =	sbr.rel .LBB1_5-.Ltmp4, $4  }
0x54: {  	s29 =	sand.u32 $0xF, s28;
	[tilespmem:s19+$0x1450 ss:$0x41] =	vst.msk $0xffff, v61;
	s20 =	ssub.s32 s20, s23;
	s17 =	smul.u32 s18, s17  }
0x55: {  	[tilespmem:s19+$0x1860 ss:$0x41] =	vst.msk $0xffff, v62;
	s21 =	sshll.u32 s30, $0x12;
	s20 =	sshll.u32 s20, $0x4;
	s18 =	sadd.s32 s5, s29  }
0x56: {  	[tilespmem:s19+$0x0 ss:$0x41] =	vst.msk $0xffff, v63;
	s31 =	sor.u32 $0x40, s21;
	s18 =	sadd.s32 s20, s18;
	s17 =	sand.u32 $0x3FFFFFFF, s17  }
0x57: {  	[hbm4b:s18+s31] =	stream.strided.scatter [tilespmem:s16], [sflag:$0x2], s17, s8, s31, $0x18;
	[tilespmem:$0x8100] =	vst v63  }
.LBB1_6:
0x58: {  	_ =	sfence.sel $0x180000  }
0x59: {  	s2 =	simm.s32 $0x1;
	[bflag:$0x0] =	sbarrier.arrive $0xFFFF  }
0x5a: {  	s31 =	simm.s32 $0x2;
	[sflag:s2] =	ssyncpa.u1 $0x1  }
0x5b: {  	[sflag:s31] =	ssyncpa.u1 $0x1  }
0x5c: {  	p0 =	sne.s32 s1, $0x0;
	_ =	strace $0x9000004A  }
0x5d: {  	s0 =	sadd.s32 @!p0 $0x100000, s0;
	[bflag:$0x2] =	sbarrier.arrive $0xFFFF  }
0x5e: {  	[sflag:s0] =	ssyncadd.tile.s32 @!p0 $0x1;
	_ =	shalt  }
.Lfunc_end1:
_tile_overlayer_lowered:
.L_overlay_start_2:
0x5f: {  	(tag) =	ssettag $0x2  }
0x60: {  	s0 =	rddreg [dreg:$0x0];
	s2 =	stileid.u32  }
0x61: {  	s1 =	rddreg [dreg:$0x1];
	p0 =	sne.s32 s2, $0x0  }
0x62: {  	s3 =	rddreg [dreg:$0x2];
	[bflag:$0x3] =	sbarrier.arrive $0xFFFF;
	s2 =	simm.s32 @!p0 $0x1C01  }
0x63: {  	[timem:s3], [sflag:s2] =	dma.local @!p0 [hbm:s0], s1  }
0x64: {  	s0 =	simm.s32 @!p0 $0x1  }
0x65: {  	_ =	swait.ge @!p0 [sflag:s0], s1  }
0x66: {  	s1 =	ssub.s32 @!p0 $0x0, s1;
	[sflag:s0] =	ssyncset.done @!p0 $0x0  }
0x67: {  	[sflag:s0] =	ssyncadd.s32 @!p0 s1  }
0x68: {  	[bflag:$0x3] =	sbarrier.arrive $0xFFFF  }
0x69: {  	_ =	shalt  }

</sc_bundles>
